<compile_context>
chip_gen: v7x
topology: tpu7x:2x2x1
jax: 0.10.2.dev20260603
libtpu: 0.0.44.dev20260713+nightly
codegen_flags: <defaults>
</compile_context>

<pallas_src>
import functools

import jax
import jax.numpy as jnp
from jax import lax
from jax.experimental import pallas as pl
from jax.experimental.pallas import tpu as pltpu
from jax.experimental.pallas import tpu_sc as plsc

L = 16
K = 64
EB = 2000


def _sc_segment_sum(xaug, src, dst, *, n, e, dp, nc, ns):
    half = n // nc
    ec = e // ns
    stripe = ((half + ns - 1) // ns + 63) // 64 * 64
    accn = stripe * ns
    last_rows = half - (ns - 1) * stripe

    mesh = plsc.VectorSubcoreMesh(
        core_axis_name="c", subcore_axis_name="s", num_cores=nc, num_subcores=ns
    )

    @functools.partial(
        pl.kernel,
        out_type=jax.ShapeDtypeStruct((n, dp), jnp.float32),
        mesh=mesh,
        compiler_params=pltpu.CompilerParams(
            needs_layout_passes=False, use_tc_tiling_on_sc=False
        ),
        scratch_types=[
            pltpu.VMEM((EB,), jnp.int32),
            pltpu.VMEM((EB,), jnp.int32),
            pltpu.VMEM((ec + K,), jnp.int32),
            pltpu.VMEM((ec + K,), jnp.int32),
            pltpu.VMEM((K, dp), jnp.float32),
            pltpu.VMEM((K,), jnp.int32),
            pltpu.VMEM((K,), jnp.int32),
            pltpu.VMEM_SHARED((accn, dp), jnp.float32),
            pltpu.SemaphoreType.DMA,
        ],
    )
    def seg_kernel(xaug_h, src_h, dst_h, out_h,
                   dst_b, src_b, kept_src, kept_dst, rows_v, sidx, gidx,
                   acc, sem):
        c = lax.axis_index("c")
        s = lax.axis_index("s")
        lo = c * half

        zf = jnp.zeros((L,), jnp.float32)

        def zrow(r, _):
            def zcol(j, __):
                rows_v[r, pl.ds(j * L, L)] = zf
                return 0
            return lax.fori_loop(0, dp // L, zcol, 0)
        lax.fori_loop(0, K, zrow, 0)
        for q in range(stripe // K):
            pltpu.sync_copy(rows_v, acc.at[pl.ds(s * stripe + q * K, K)])

        plsc.subcore_barrier()

        def fblock(b, cnt):
            pltpu.sync_copy(dst_h.at[pl.ds(s * ec + b * EB, EB)], dst_b)
            pltpu.sync_copy(src_h.at[pl.ds(s * ec + b * EB, EB)], src_b)

            def fbody(i, cnt):
                dv = dst_b[pl.ds(i * L, L)]
                sr = src_b[pl.ds(i * L, L)]
                m = (dv >= lo) & (dv < lo + half)
                mi = m.astype(jnp.int32)
                pos = cnt + plsc.cumsum(mi) - 1
                plsc.store_scatter(kept_src, [pos], sr, mask=m)
                plsc.store_scatter(kept_dst, [pos], dv - lo, mask=m)
                return cnt + jnp.sum(mi)
            return lax.fori_loop(0, EB // L, fbody, cnt)
        cnt = lax.fori_loop(0, ec // EB, fblock, jnp.int32(0))

        zi = jnp.zeros((L,), jnp.int32)
        dm = jnp.full((L,), accn - ns, jnp.int32) + s
        for j in range(K // L):
            kept_src[pl.ds(cnt + j * L, L)] = zi
            kept_dst[pl.ds(cnt + j * L, L)] = dm
        nch = (cnt + (K - 1)) // K

        def gbody(j, __):
            base = j * K
            for j2 in range(K // L):
                sidx[pl.ds(j2 * L, L)] = kept_dst[pl.ds(base + j2 * L, L)]
                gidx[pl.ds(j2 * L, L)] = kept_src[pl.ds(base + j2 * L, L)]
            pltpu.async_copy(xaug_h.at[gidx], rows_v, sem).wait()
            return 0
        lax.fori_loop(0, nch, gbody, 0)

        plsc.subcore_barrier()

        @pl.when(s < ns - 1)
        def _():
            pltpu.sync_copy(acc.at[pl.ds(s * stripe, stripe)],
                            out_h.at[pl.ds(lo + s * stripe, stripe)])

        @pl.when(s == ns - 1)
        def _():
            pltpu.sync_copy(acc.at[pl.ds((ns - 1) * stripe, last_rows)],
                            out_h.at[pl.ds(lo + (ns - 1) * stripe, last_rows)])

    return seg_kernel(xaug, src, dst)


def _tc_combine(x, accum, wsT, wnT, bias, *, n, d, out, dp):
    r_blk = 2000
    grid = n // r_blk

    def body(x_ref, a_ref, ws_ref, wn_ref, b_ref, o_ref):
        su = a_ref[:, :d]
        deg = a_ref[:, d:d + 1]
        h = su * (1.0 / jnp.maximum(deg, 1.0))
        o_ref[...] = (
            jnp.dot(x_ref[...], ws_ref[...], preferred_element_type=jnp.float32)
            + jnp.dot(h, wn_ref[...], preferred_element_type=jnp.float32)
            + b_ref[...]
        )

    return pl.pallas_call(
        body,
        grid=(grid,),
        in_specs=[
            pl.BlockSpec((r_blk, d), lambda i: (i, 0)),
            pl.BlockSpec((r_blk, dp), lambda i: (i, 0)),
            pl.BlockSpec((d, out), lambda i: (0, 0)),
            pl.BlockSpec((d, out), lambda i: (0, 0)),
            pl.BlockSpec((1, out), lambda i: (0, 0)),
        ],
        out_specs=pl.BlockSpec((r_blk, out), lambda i: (i, 0)),
        out_shape=jax.ShapeDtypeStruct((n, out), jnp.float32),
    )(x, accum, wsT, wnT, bias)


def kernel(x, edge_index, W_self, b_self, W_neigh, b_neigh):
    n, d = x.shape
    e = edge_index.shape[1]
    out = W_self.shape[0]
    dp = d + 16

    xaug = jnp.concatenate(
        [x, jnp.ones((n, 1), x.dtype), jnp.zeros((n, dp - d - 1), x.dtype)], axis=1
    )

    src = edge_index[0]
    dst = edge_index[1]
    accum = _sc_segment_sum(xaug, src, dst, n=n, e=e, dp=dp, nc=2, ns=16)

    bias = (b_self + b_neigh)[None, :]
    return _tc_combine(x, accum, W_self.T, W_neigh.T, bias, n=n, d=d, out=out, dp=dp)

# --- scband reference (transcript-rebuilt; emitter-appended) ---
"""Pipeline reference for scband-sageconv-63685775065412 (READ-ONLY COPY).

The authoritative reference and input builder live on the scoring server;
editing this copy changes nothing except your own understanding.
"""

import jax, jax.numpy as jnp
import numpy as np

N = 10000
E = 160000
D = 256
OUT = 256

def _xavier(key, shape, gain):
    fan_in, fan_out = shape[1], shape[0]
    a = gain * np.sqrt(6.0 / (fan_in + fan_out))
    return jax.random.uniform(key, shape, dtype=jnp.float32, minval=-a, maxval=a)

def setup_inputs(seed: int = 0) -> dict:
    key = jax.random.key(seed)
    k1, k2, k3, k4 = jax.random.split(key, 4)
    gain = np.sqrt(2.0)  # calculate_gain('relu')
    x = jax.random.normal(k1, (N, D), dtype=jnp.float32)
    edge_index = jax.random.randint(k2, (2, E), 0, N, dtype=jnp.int32)
    W_self = _xavier(k3, (OUT, D), gain)
    b_self = jnp.zeros((OUT,), dtype=jnp.float32)
    W_neigh = _xavier(k4, (OUT, D), gain)
    b_neigh = jnp.zeros((OUT,), dtype=jnp.float32)
    return {"x": x, "edge_index": edge_index, "W_self": W_self, "b_self": b_self, "W_neigh": W_neigh, "b_neigh": b_neigh}

def reference(x, edge_index, W_self, b_self, W_neigh, b_neigh):
    # DGL SAGEConv with aggregator_type='mean' on a homogeneous (non-block) graph:
    # feat_src = feat_dst = x (expand_as_pair)
    src = edge_index[0]
    dst = edge_index[1]
    msgs = jnp.take(x, src, axis=0)                       # gather: copy_u
    summed = jax.ops.segment_sum(msgs, dst, num_segments=N)  # scatter-add
    deg = jax.ops.segment_sum(jnp.ones((E,), dtype=x.dtype), dst, num_segments=N)
    h_neigh = summed / jnp.clip(deg, 1.0, None)[:, None]  # mean aggregation
    rst = (x @ W_self.T + b_self) + (h_neigh @ W_neigh.T + b_neigh)
    # norm=None, activation=None
    return rst

if __name__ == "__main__":
    import jax
    _d = setup_inputs()
    print(jax.jit(kernel)(*tuple(_d.values())))

</pallas_src>

<mosaic_0001>
#map = affine_map<(d0, d1) -> (0, 0)>
#map1 = affine_map<(d0, d1) -> (0)>
module attributes {stable_mosaic.version = 14 : i64} {
  func.func @seg_kernel(%arg0: i32, %arg1: i32, %arg2: memref<10000x272xf32, #tpu.memory_space<hbm>>, %arg3: memref<160000xi32, #tpu.memory_space<hbm>>, %arg4: memref<160000xi32, #tpu.memory_space<hbm>>, %arg5: memref<10000x272xf32, #tpu.memory_space<hbm>>, %arg6: memref<2000xi32, #tpu.memory_space<vmem>>, %arg7: memref<2000xi32, #tpu.memory_space<vmem>>, %arg8: memref<10064xi32, #tpu.memory_space<vmem>>, %arg9: memref<10064xi32, #tpu.memory_space<vmem>>, %arg10: memref<64x272xf32, #tpu.memory_space<vmem>>, %arg11: memref<64xi32, #tpu.memory_space<vmem>>, %arg12: memref<64xi32, #tpu.memory_space<vmem>>, %arg13: memref<5120x272xf32, #tpu.memory_space<vmem_shared>>, %arg14: memref<!tpu.dma_semaphore, #tpu.memory_space<semaphore_mem>>) attributes {dimension_semantics = [#tpu.dimension_semantics<core_parallel>, #tpu.dimension_semantics<subcore_parallel>], iteration_bounds = array<i64: 2, 16>, scalar_prefetch = 0 : i64, scratch_operands = 9 : i64, tpu.core_type = #tpu.core_type<sc_vector_subcore>, window_params = [{transform_indices = #map}, {transform_indices = #map1}, {transform_indices = #map1}, {transform_indices = #map}]} {
    %mul3A = arith.constant 5000 : i32
    %mul3A_0 = arith.muli %arg0, %mul3A : i32
    %broadcast_in_dim3A = arith.constant 0.000000e+00 : f32
    %broadcast_in_dim3A_1 = vector.broadcast %broadcast_in_dim3A : f32 to vector<16xf32>
    %scan3A = arith.constant 0 : i32
    %scan3A_2 = arith.constant 0 : i32
    %scan3A_3 = arith.constant 64 : i32
    %scan3A_4 = arith.addi %scan3A_2, %scan3A_3 : i32
    %scan3A_5 = arith.constant 1 : i32
    %scan3A_6 = scf.for %scan3A_107 = %scan3A_2 to %scan3A_4 step %scan3A_5 iter_args(%scan3A_108 = %scan3A) -> (i32)  : i32 {
      %scan3A_109 = arith.constant 0 : i32
      %scan3A_110 = arith.constant 0 : i32
      %scan3A_111 = arith.constant 17 : i32
      %scan3A_112 = arith.addi %scan3A_110, %scan3A_111 : i32
      %scan3A_113 = arith.constant 1 : i32
      %scan3A_114 = scf.for %scan3A_116 = %scan3A_110 to %scan3A_112 step %scan3A_113 iter_args(%scan3A_117 = %scan3A_109) -> (i32)  : i32 {
        %mul3A_118 = arith.constant 16 : i32
        %mul3A_119 = arith.muli %scan3A_116, %mul3A_118 : i32
        %swap3A_120 = arith.index_cast %scan3A_107 : i32 to index
        %swap3A_121 = arith.index_cast %mul3A_119 : i32 to index
        %swap3A_122 = tpu.vector_load %arg10[%swap3A_120, %swap3A_121] {strides = array<i32>} : memref<64x272xf32, #tpu.memory_space<vmem>>, vector<16xf32>,
        tpu.vector_store %arg10[%swap3A_120, %swap3A_121], %broadcast_in_dim3A_1 {strides = array<i32>} : memref<64x272xf32, #tpu.memory_space<vmem>>, vector<16xf32>,
        %scan3A_123 = arith.constant 0 : i32
        scf.yield %scan3A_123 : i32
      }
      %scan3A_115 = arith.constant 17 : i32
      scf.yield %scan3A_114 : i32
    }
    %scan3A_7 = arith.constant 64 : i32
    %mul3A_8 = arith.constant 320 : i32
    %mul3A_9 = arith.muli %arg1, %mul3A_8 : i32
    %add3A = arith.constant 0 : i32
    %add3A_10 = arith.addi %mul3A_9, %add3A : i32
    "tpu.region"() ({
      %run_scoped3A = tpu.sem_alloc : memref<!tpu.dma_semaphore, #tpu.memory_space<semaphore_mem>>
      %dma_start3A = arith.constant 0 : i32
      %dma_start3A_107 = tpu.memref_slice %arg13[%add3A_10, %dma_start3A] : memref<5120x272xf32, #tpu.memory_space<vmem_shared>> -> memref<64x272xf32, #tpu.memory_space<vmem_shared>>
      %dma_start3A_108 = arith.constant 0 : i32
      %dma_start3A_109 = tpu.memref_slice %arg13[%add3A_10, %dma_start3A_108] : memref<5120x272xf32, #tpu.memory_space<vmem_shared>> -> memref<64x272xf32, #tpu.memory_space<vmem_shared>>
      tpu.enqueue_dma source(%arg10 : memref<64x272xf32, #tpu.memory_space<vmem>>) target(%dma_start3A_109 : memref<64x272xf32, #tpu.memory_space<vmem_shared>>) target_semaphore(%run_scoped3A : memref<!tpu.dma_semaphore, #tpu.memory_space<semaphore_mem>>)
      %dma_wait3A = arith.constant 0 : i32
      %dma_wait3A_110 = tpu.memref_slice %arg13[%add3A_10, %dma_wait3A] : memref<5120x272xf32, #tpu.memory_space<vmem_shared>> -> memref<64x272xf32, #tpu.memory_space<vmem_shared>>
      %dma_wait3A_111 = arith.constant 0 : i32
      %dma_wait3A_112 = tpu.memref_slice %arg13[%add3A_10, %dma_wait3A_111] : memref<5120x272xf32, #tpu.memory_space<vmem_shared>> -> memref<64x272xf32, #tpu.memory_space<vmem_shared>>
      tpu.wait_dma2 semaphore(%run_scoped3A : memref<!tpu.dma_semaphore, #tpu.memory_space<semaphore_mem>>) src(%arg10 : memref<64x272xf32, #tpu.memory_space<vmem>>) dst(%dma_wait3A_112 : memref<64x272xf32, #tpu.memory_space<vmem_shared>>)
      tpu.yield
    }) : () -> ()
    %mul3A_11 = arith.constant 320 : i32
    %mul3A_12 = arith.muli %arg1, %mul3A_11 : i32
    %add3A_13 = arith.constant 64 : i32
    %add3A_14 = arith.addi %mul3A_12, %add3A_13 : i32
    "tpu.region"() ({
      %run_scoped3A = tpu.sem_alloc : memref<!tpu.dma_semaphore, #tpu.memory_space<semaphore_mem>>
      %dma_start3A = arith.constant 0 : i32
      %dma_start3A_107 = tpu.memref_slice %arg13[%add3A_14, %dma_start3A] : memref<5120x272xf32, #tpu.memory_space<vmem_shared>> -> memref<64x272xf32, #tpu.memory_space<vmem_shared>>
      %dma_start3A_108 = arith.constant 0 : i32
      %dma_start3A_109 = tpu.memref_slice %arg13[%add3A_14, %dma_start3A_108] : memref<5120x272xf32, #tpu.memory_space<vmem_shared>> -> memref<64x272xf32, #tpu.memory_space<vmem_shared>>
      tpu.enqueue_dma source(%arg10 : memref<64x272xf32, #tpu.memory_space<vmem>>) target(%dma_start3A_109 : memref<64x272xf32, #tpu.memory_space<vmem_shared>>) target_semaphore(%run_scoped3A : memref<!tpu.dma_semaphore, #tpu.memory_space<semaphore_mem>>)
      %dma_wait3A = arith.constant 0 : i32
      %dma_wait3A_110 = tpu.memref_slice %arg13[%add3A_14, %dma_wait3A] : memref<5120x272xf32, #tpu.memory_space<vmem_shared>> -> memref<64x272xf32, #tpu.memory_space<vmem_shared>>
      %dma_wait3A_111 = arith.constant 0 : i32
      %dma_wait3A_112 = tpu.memref_slice %arg13[%add3A_14, %dma_wait3A_111] : memref<5120x272xf32, #tpu.memory_space<vmem_shared>> -> memref<64x272xf32, #tpu.memory_space<vmem_shared>>
      tpu.wait_dma2 semaphore(%run_scoped3A : memref<!tpu.dma_semaphore, #tpu.memory_space<semaphore_mem>>) src(%arg10 : memref<64x272xf32, #tpu.memory_space<vmem>>) dst(%dma_wait3A_112 : memref<64x272xf32, #tpu.memory_space<vmem_shared>>)
      tpu.yield
    }) : () -> ()
    %mul3A_15 = arith.constant 320 : i32
    %mul3A_16 = arith.muli %arg1, %mul3A_15 : i32
    %add3A_17 = arith.constant 128 : i32
    %add3A_18 = arith.addi %mul3A_16, %add3A_17 : i32
    "tpu.region"() ({
      %run_scoped3A = tpu.sem_alloc : memref<!tpu.dma_semaphore, #tpu.memory_space<semaphore_mem>>
      %dma_start3A = arith.constant 0 : i32
      %dma_start3A_107 = tpu.memref_slice %arg13[%add3A_18, %dma_start3A] : memref<5120x272xf32, #tpu.memory_space<vmem_shared>> -> memref<64x272xf32, #tpu.memory_space<vmem_shared>>
      %dma_start3A_108 = arith.constant 0 : i32
      %dma_start3A_109 = tpu.memref_slice %arg13[%add3A_18, %dma_start3A_108] : memref<5120x272xf32, #tpu.memory_space<vmem_shared>> -> memref<64x272xf32, #tpu.memory_space<vmem_shared>>
      tpu.enqueue_dma source(%arg10 : memref<64x272xf32, #tpu.memory_space<vmem>>) target(%dma_start3A_109 : memref<64x272xf32, #tpu.memory_space<vmem_shared>>) target_semaphore(%run_scoped3A : memref<!tpu.dma_semaphore, #tpu.memory_space<semaphore_mem>>)
      %dma_wait3A = arith.constant 0 : i32
      %dma_wait3A_110 = tpu.memref_slice %arg13[%add3A_18, %dma_wait3A] : memref<5120x272xf32, #tpu.memory_space<vmem_shared>> -> memref<64x272xf32, #tpu.memory_space<vmem_shared>>
      %dma_wait3A_111 = arith.constant 0 : i32
      %dma_wait3A_112 = tpu.memref_slice %arg13[%add3A_18, %dma_wait3A_111] : memref<5120x272xf32, #tpu.memory_space<vmem_shared>> -> memref<64x272xf32, #tpu.memory_space<vmem_shared>>
      tpu.wait_dma2 semaphore(%run_scoped3A : memref<!tpu.dma_semaphore, #tpu.memory_space<semaphore_mem>>) src(%arg10 : memref<64x272xf32, #tpu.memory_space<vmem>>) dst(%dma_wait3A_112 : memref<64x272xf32, #tpu.memory_space<vmem_shared>>)
      tpu.yield
    }) : () -> ()
    %mul3A_19 = arith.constant 320 : i32
    %mul3A_20 = arith.muli %arg1, %mul3A_19 : i32
    %add3A_21 = arith.constant 192 : i32
    %add3A_22 = arith.addi %mul3A_20, %add3A_21 : i32
    "tpu.region"() ({
      %run_scoped3A = tpu.sem_alloc : memref<!tpu.dma_semaphore, #tpu.memory_space<semaphore_mem>>
      %dma_start3A = arith.constant 0 : i32
      %dma_start3A_107 = tpu.memref_slice %arg13[%add3A_22, %dma_start3A] : memref<5120x272xf32, #tpu.memory_space<vmem_shared>> -> memref<64x272xf32, #tpu.memory_space<vmem_shared>>
      %dma_start3A_108 = arith.constant 0 : i32
      %dma_start3A_109 = tpu.memref_slice %arg13[%add3A_22, %dma_start3A_108] : memref<5120x272xf32, #tpu.memory_space<vmem_shared>> -> memref<64x272xf32, #tpu.memory_space<vmem_shared>>
      tpu.enqueue_dma source(%arg10 : memref<64x272xf32, #tpu.memory_space<vmem>>) target(%dma_start3A_109 : memref<64x272xf32, #tpu.memory_space<vmem_shared>>) target_semaphore(%run_scoped3A : memref<!tpu.dma_semaphore, #tpu.memory_space<semaphore_mem>>)
      %dma_wait3A = arith.constant 0 : i32
      %dma_wait3A_110 = tpu.memref_slice %arg13[%add3A_22, %dma_wait3A] : memref<5120x272xf32, #tpu.memory_space<vmem_shared>> -> memref<64x272xf32, #tpu.memory_space<vmem_shared>>
      %dma_wait3A_111 = arith.constant 0 : i32
      %dma_wait3A_112 = tpu.memref_slice %arg13[%add3A_22, %dma_wait3A_111] : memref<5120x272xf32, #tpu.memory_space<vmem_shared>> -> memref<64x272xf32, #tpu.memory_space<vmem_shared>>
      tpu.wait_dma2 semaphore(%run_scoped3A : memref<!tpu.dma_semaphore, #tpu.memory_space<semaphore_mem>>) src(%arg10 : memref<64x272xf32, #tpu.memory_space<vmem>>) dst(%dma_wait3A_112 : memref<64x272xf32, #tpu.memory_space<vmem_shared>>)
      tpu.yield
    }) : () -> ()
    %mul3A_23 = arith.constant 320 : i32
    %mul3A_24 = arith.muli %arg1, %mul3A_23 : i32
    %add3A_25 = arith.constant 256 : i32
    %add3A_26 = arith.addi %mul3A_24, %add3A_25 : i32
    "tpu.region"() ({
      %run_scoped3A = tpu.sem_alloc : memref<!tpu.dma_semaphore, #tpu.memory_space<semaphore_mem>>
      %dma_start3A = arith.constant 0 : i32
      %dma_start3A_107 = tpu.memref_slice %arg13[%add3A_26, %dma_start3A] : memref<5120x272xf32, #tpu.memory_space<vmem_shared>> -> memref<64x272xf32, #tpu.memory_space<vmem_shared>>
      %dma_start3A_108 = arith.constant 0 : i32
      %dma_start3A_109 = tpu.memref_slice %arg13[%add3A_26, %dma_start3A_108] : memref<5120x272xf32, #tpu.memory_space<vmem_shared>> -> memref<64x272xf32, #tpu.memory_space<vmem_shared>>
      tpu.enqueue_dma source(%arg10 : memref<64x272xf32, #tpu.memory_space<vmem>>) target(%dma_start3A_109 : memref<64x272xf32, #tpu.memory_space<vmem_shared>>) target_semaphore(%run_scoped3A : memref<!tpu.dma_semaphore, #tpu.memory_space<semaphore_mem>>)
      %dma_wait3A = arith.constant 0 : i32
      %dma_wait3A_110 = tpu.memref_slice %arg13[%add3A_26, %dma_wait3A] : memref<5120x272xf32, #tpu.memory_space<vmem_shared>> -> memref<64x272xf32, #tpu.memory_space<vmem_shared>>
      %dma_wait3A_111 = arith.constant 0 : i32
      %dma_wait3A_112 = tpu.memref_slice %arg13[%add3A_26, %dma_wait3A_111] : memref<5120x272xf32, #tpu.memory_space<vmem_shared>> -> memref<64x272xf32, #tpu.memory_space<vmem_shared>>
      tpu.wait_dma2 semaphore(%run_scoped3A : memref<!tpu.dma_semaphore, #tpu.memory_space<semaphore_mem>>) src(%arg10 : memref<64x272xf32, #tpu.memory_space<vmem>>) dst(%dma_wait3A_112 : memref<64x272xf32, #tpu.memory_space<vmem_shared>>)
      tpu.yield
    }) : () -> ()
    %barrier3A = arith.constant 0 : index
    tpu.barrier barrier_id(%barrier3A)
    %scan3A_27 = arith.constant 0 : i32
    %scan3A_28 = arith.constant 0 : i32
    %scan3A_29 = arith.constant 5 : i32
    %scan3A_30 = arith.addi %scan3A_28, %scan3A_29 : i32
    %scan3A_31 = arith.constant 1 : i32
    %scan3A_32 = scf.for %scan3A_107 = %scan3A_28 to %scan3A_30 step %scan3A_31 iter_args(%scan3A_108 = %scan3A_27) -> (i32)  : i32 {
      %mul3A_109 = arith.constant 10000 : i32
      %mul3A_110 = arith.muli %arg1, %mul3A_109 : i32
      %mul3A_111 = arith.constant 2000 : i32
      %mul3A_112 = arith.muli %scan3A_107, %mul3A_111 : i32
      %add3A_113 = arith.addi %mul3A_110, %mul3A_112 : i32
      "tpu.region"() ({
        %run_scoped3A = tpu.sem_alloc : memref<!tpu.dma_semaphore, #tpu.memory_space<semaphore_mem>>
        %dma_start3A = tpu.memref_slice %arg4[%add3A_113] : memref<160000xi32, #tpu.memory_space<hbm>> -> memref<2000xi32, #tpu.memory_space<hbm>>
        %dma_start3A_125 = tpu.memref_slice %arg4[%add3A_113] : memref<160000xi32, #tpu.memory_space<hbm>> -> memref<2000xi32, #tpu.memory_space<hbm>>
        tpu.enqueue_dma source(%dma_start3A_125 : memref<2000xi32, #tpu.memory_space<hbm>>) target(%arg6 : memref<2000xi32, #tpu.memory_space<vmem>>) target_semaphore(%run_scoped3A : memref<!tpu.dma_semaphore, #tpu.memory_space<semaphore_mem>>)
        %dma_wait3A = tpu.memref_slice %arg4[%add3A_113] : memref<160000xi32, #tpu.memory_space<hbm>> -> memref<2000xi32, #tpu.memory_space<hbm>>
        %dma_wait3A_126 = tpu.memref_slice %arg4[%add3A_113] : memref<160000xi32, #tpu.memory_space<hbm>> -> memref<2000xi32, #tpu.memory_space<hbm>>
        tpu.wait_dma2 semaphore(%run_scoped3A : memref<!tpu.dma_semaphore, #tpu.memory_space<semaphore_mem>>) src(%dma_wait3A_126 : memref<2000xi32, #tpu.memory_space<hbm>>) dst(%arg6 : memref<2000xi32, #tpu.memory_space<vmem>>)
        tpu.yield
      }) : () -> ()
      %mul3A_114 = arith.constant 10000 : i32
      %mul3A_115 = arith.muli %arg1, %mul3A_114 : i32
      %mul3A_116 = arith.constant 2000 : i32
      %mul3A_117 = arith.muli %scan3A_107, %mul3A_116 : i32
      %add3A_118 = arith.addi %mul3A_115, %mul3A_117 : i32
      "tpu.region"() ({
        %run_scoped3A = tpu.sem_alloc : memref<!tpu.dma_semaphore, #tpu.memory_space<semaphore_mem>>
        %dma_start3A = tpu.memref_slice %arg3[%add3A_118] : memref<160000xi32, #tpu.memory_space<hbm>> -> memref<2000xi32, #tpu.memory_space<hbm>>
        %dma_start3A_125 = tpu.memref_slice %arg3[%add3A_118] : memref<160000xi32, #tpu.memory_space<hbm>> -> memref<2000xi32, #tpu.memory_space<hbm>>
        tpu.enqueue_dma source(%dma_start3A_125 : memref<2000xi32, #tpu.memory_space<hbm>>) target(%arg7 : memref<2000xi32, #tpu.memory_space<vmem>>) target_semaphore(%run_scoped3A : memref<!tpu.dma_semaphore, #tpu.memory_space<semaphore_mem>>)
        %dma_wait3A = tpu.memref_slice %arg3[%add3A_118] : memref<160000xi32, #tpu.memory_space<hbm>> -> memref<2000xi32, #tpu.memory_space<hbm>>
        %dma_wait3A_126 = tpu.memref_slice %arg3[%add3A_118] : memref<160000xi32, #tpu.memory_space<hbm>> -> memref<2000xi32, #tpu.memory_space<hbm>>
        tpu.wait_dma2 semaphore(%run_scoped3A : memref<!tpu.dma_semaphore, #tpu.memory_space<semaphore_mem>>) src(%dma_wait3A_126 : memref<2000xi32, #tpu.memory_space<hbm>>) dst(%arg7 : memref<2000xi32, #tpu.memory_space<vmem>>)
        tpu.yield
      }) : () -> ()
      %scan3A_119 = arith.constant 0 : i32
      %scan3A_120 = arith.constant 125 : i32
      %scan3A_121 = arith.addi %scan3A_119, %scan3A_120 : i32
      %scan3A_122 = arith.constant 1 : i32
      %scan3A_123 = scf.for %scan3A_125 = %scan3A_119 to %scan3A_121 step %scan3A_122 iter_args(%scan3A_126 = %scan3A_108) -> (i32)  : i32 {
        %mul3A_127 = arith.constant 16 : i32
        %mul3A_128 = arith.muli %scan3A_125, %mul3A_127 : i32
        %get3A = arith.index_cast %mul3A_128 : i32 to index
        %get3A_129 = tpu.vector_load %arg6[%get3A] {strides = array<i32>} : memref<2000xi32, #tpu.memory_space<vmem>>, vector<16xi32>,
        %mul3A_130 = arith.constant 16 : i32
        %mul3A_131 = arith.muli %scan3A_125, %mul3A_130 : i32
        %get3A_132 = arith.index_cast %mul3A_131 : i32 to index
        %get3A_133 = tpu.vector_load %arg7[%get3A_132] {strides = array<i32>} : memref<2000xi32, #tpu.memory_space<vmem>>, vector<16xi32>,
        %ge3A = vector.broadcast %mul3A_0 : i32 to vector<16xi32>
        %ge3A_134 = arith.cmpi sge, %get3A_129, %ge3A : vector<16xi32>
        %add3A_135 = arith.constant 5000 : i32
        %add3A_136 = arith.addi %mul3A_0, %add3A_135 : i32
        %lt3A_137 = vector.broadcast %add3A_136 : i32 to vector<16xi32>
        %lt3A_138 = arith.cmpi slt, %get3A_129, %lt3A_137 : vector<16xi32>
        %and3A_139 = arith.andi %ge3A_134, %lt3A_138 : vector<16xi1>
        %convert_element_type3A_140 = arith.extui %and3A_139 : vector<16xi1> to vector<16xi32>
        %broadcast_in_dim3A_141 = arith.constant true
        %broadcast_in_dim3A_142 = vector.broadcast %broadcast_in_dim3A_141 : i1 to vector<16xi1>
        %masked_cumsum3A = tpu.scan <sum>, %convert_element_type3A_140 masked %broadcast_in_dim3A_142 : vector<16xi32>, vector<16xi1> -> vector<16xi32>
        %add3A_143 = vector.broadcast %scan3A_126 : i32 to vector<16xi32>
        %add3A_144 = arith.addi %add3A_143, %masked_cumsum3A : vector<16xi32>
        %sub3A_145 = arith.constant 1 : i32
        %sub3A_146 = vector.broadcast %sub3A_145 : i32 to vector<16xi32>
        %sub3A_147 = arith.subi %add3A_144, %sub3A_146 : vector<16xi32>
        tpu.vector_store_idx %arg8[%sub3A_147], %get3A_133 masked %and3A_139 : memref<10064xi32, #tpu.memory_space<vmem>>[vector<16xi32>], vector<16xi32>, vector<16xi1>
        %sub3A_148 = vector.broadcast %mul3A_0 : i32 to vector<16xi32>
        %sub3A_149 = arith.subi %get3A_129, %sub3A_148 : vector<16xi32>
        tpu.vector_store_idx %arg9[%sub3A_147], %sub3A_149 masked %and3A_139 : memref<10064xi32, #tpu.memory_space<vmem>>[vector<16xi32>], vector<16xi32>, vector<16xi1>
        %reduce_sum3A = arith.constant true
        %reduce_sum3A_150 = vector.broadcast %reduce_sum3A : i1 to vector<16xi1>
        %reduce_sum3A_151 = tpu.scan <sum>, %convert_element_type3A_140 masked %reduce_sum3A_150 : vector<16xi32>, vector<16xi1> -> vector<16xi32>
        %reduce_sum3A_152 = vector.extract %reduce_sum3A_151[15] : i32 from vector<16xi32>
        %add3A_153 = arith.addi %scan3A_126, %reduce_sum3A_152 : i32
        scf.yield %add3A_153 : i32
      }
      %scan3A_124 = arith.constant 125 : i32
      scf.yield %scan3A_123 : i32
    }
    %scan3A_33 = arith.constant 5 : i32
    %broadcast_in_dim3A_34 = arith.constant 0 : i32
    %broadcast_in_dim3A_35 = vector.broadcast %broadcast_in_dim3A_34 : i32 to vector<16xi32>
    %broadcast_in_dim3A_36 = arith.constant 5104 : i32
    %broadcast_in_dim3A_37 = vector.broadcast %broadcast_in_dim3A_36 : i32 to vector<16xi32>
    %add3A_38 = vector.broadcast %arg1 : i32 to vector<16xi32>
    %add3A_39 = arith.addi %broadcast_in_dim3A_37, %add3A_38 : vector<16xi32>
    %add3A_40 = arith.constant 0 : i32
    %add3A_41 = arith.addi %scan3A_32, %add3A_40 : i32
    %swap3A = arith.index_cast %add3A_41 : i32 to index
    %swap3A_42 = tpu.vector_load %arg8[%swap3A] {strides = array<i32>} : memref<10064xi32, #tpu.memory_space<vmem>>, vector<16xi32>,
    tpu.vector_store %arg8[%swap3A], %broadcast_in_dim3A_35 {strides = array<i32>} : memref<10064xi32, #tpu.memory_space<vmem>>, vector<16xi32>,
    %add3A_43 = arith.constant 0 : i32
    %add3A_44 = arith.addi %scan3A_32, %add3A_43 : i32
    %swap3A_45 = arith.index_cast %add3A_44 : i32 to index
    %swap3A_46 = tpu.vector_load %arg9[%swap3A_45] {strides = array<i32>} : memref<10064xi32, #tpu.memory_space<vmem>>, vector<16xi32>,
    tpu.vector_store %arg9[%swap3A_45], %add3A_39 {strides = array<i32>} : memref<10064xi32, #tpu.memory_space<vmem>>, vector<16xi32>,
    %add3A_47 = arith.constant 16 : i32
    %add3A_48 = arith.addi %scan3A_32, %add3A_47 : i32
    %swap3A_49 = arith.index_cast %add3A_48 : i32 to index
    %swap3A_50 = tpu.vector_load %arg8[%swap3A_49] {strides = array<i32>} : memref<10064xi32, #tpu.memory_space<vmem>>, vector<16xi32>,
    tpu.vector_store %arg8[%swap3A_49], %broadcast_in_dim3A_35 {strides = array<i32>} : memref<10064xi32, #tpu.memory_space<vmem>>, vector<16xi32>,
    %add3A_51 = arith.constant 16 : i32
    %add3A_52 = arith.addi %scan3A_32, %add3A_51 : i32
    %swap3A_53 = arith.index_cast %add3A_52 : i32 to index
    %swap3A_54 = tpu.vector_load %arg9[%swap3A_53] {strides = array<i32>} : memref<10064xi32, #tpu.memory_space<vmem>>, vector<16xi32>,
    tpu.vector_store %arg9[%swap3A_53], %add3A_39 {strides = array<i32>} : memref<10064xi32, #tpu.memory_space<vmem>>, vector<16xi32>,
    %add3A_55 = arith.constant 32 : i32
    %add3A_56 = arith.addi %scan3A_32, %add3A_55 : i32
    %swap3A_57 = arith.index_cast %add3A_56 : i32 to index
    %swap3A_58 = tpu.vector_load %arg8[%swap3A_57] {strides = array<i32>} : memref<10064xi32, #tpu.memory_space<vmem>>, vector<16xi32>,
    tpu.vector_store %arg8[%swap3A_57], %broadcast_in_dim3A_35 {strides = array<i32>} : memref<10064xi32, #tpu.memory_space<vmem>>, vector<16xi32>,
    %add3A_59 = arith.constant 32 : i32
    %add3A_60 = arith.addi %scan3A_32, %add3A_59 : i32
    %swap3A_61 = arith.index_cast %add3A_60 : i32 to index
    %swap3A_62 = tpu.vector_load %arg9[%swap3A_61] {strides = array<i32>} : memref<10064xi32, #tpu.memory_space<vmem>>, vector<16xi32>,
    tpu.vector_store %arg9[%swap3A_61], %add3A_39 {strides = array<i32>} : memref<10064xi32, #tpu.memory_space<vmem>>, vector<16xi32>,
    %add3A_63 = arith.constant 48 : i32
    %add3A_64 = arith.addi %scan3A_32, %add3A_63 : i32
    %swap3A_65 = arith.index_cast %add3A_64 : i32 to index
    %swap3A_66 = tpu.vector_load %arg8[%swap3A_65] {strides = array<i32>} : memref<10064xi32, #tpu.memory_space<vmem>>, vector<16xi32>,
    tpu.vector_store %arg8[%swap3A_65], %broadcast_in_dim3A_35 {strides = array<i32>} : memref<10064xi32, #tpu.memory_space<vmem>>, vector<16xi32>,
    %add3A_67 = arith.constant 48 : i32
    %add3A_68 = arith.addi %scan3A_32, %add3A_67 : i32
    %swap3A_69 = arith.index_cast %add3A_68 : i32 to index
    %swap3A_70 = tpu.vector_load %arg9[%swap3A_69] {strides = array<i32>} : memref<10064xi32, #tpu.memory_space<vmem>>, vector<16xi32>,
    tpu.vector_store %arg9[%swap3A_69], %add3A_39 {strides = array<i32>} : memref<10064xi32, #tpu.memory_space<vmem>>, vector<16xi32>,
    %add3A_71 = arith.constant 63 : i32
    %add3A_72 = arith.addi %scan3A_32, %add3A_71 : i32
    %jit3A = arith.constant 64 : i32
    %div3A = arith.divsi %add3A_72, %jit3A : i32
    %sign3A = arith.constant 0 : i32
    %sign3A_73 = arith.cmpi sgt, %add3A_72, %sign3A : i32
    %sign3A_74 = arith.extui %sign3A_73 : i1 to i32
    %sign3A_75 = arith.constant 0 : i32
    %sign3A_76 = arith.cmpi slt, %add3A_72, %sign3A_75 : i32
    %sign3A_77 = arith.extui %sign3A_76 : i1 to i32
    %sign3A_78 = arith.subi %sign3A_74, %sign3A_77 : i32
    %sign3A_79 = arith.constant 0 : i32
    %sign3A_80 = arith.cmpi sgt, %jit3A, %sign3A_79 : i32
    %sign3A_81 = arith.extui %sign3A_80 : i1 to i32
    %sign3A_82 = arith.constant 0 : i32
    %sign3A_83 = arith.cmpi slt, %jit3A, %sign3A_82 : i32
    %sign3A_84 = arith.extui %sign3A_83 : i1 to i32
    %sign3A_85 = arith.subi %sign3A_81, %sign3A_84 : i32
    %ne3A = arith.cmpi ne, %sign3A_78, %sign3A_85 : i32
    %rem3A = arith.remsi %add3A_72, %jit3A : i32
    %ne3A_86 = arith.constant 0 : i32
    %ne3A_87 = arith.cmpi ne, %rem3A, %ne3A_86 : i32
    %and3A = arith.andi %ne3A, %ne3A_87 : i1
    %sub3A = arith.constant 1 : i32
    %sub3A_88 = arith.subi %div3A, %sub3A : i32
    %select_n3A = arith.select %and3A, %sub3A_88, %div3A : i32
    %while3A = arith.constant 0 : i32
    %while3A_89 = arith.constant 0 : i32
    %while3A_90 = arith.subi %select_n3A, %while3A : i32
    %while3A_91 = arith.addi %while3A, %while3A_90 : i32
    %while3A_92 = arith.constant 1 : i32
    %while3A_93 = arith.divsi %while3A_90, %while3A_92 : i32
    %while3A_94 = arith.muli %while3A_93, %while3A_92 : i32
    %while3A_95 = arith.addi %while3A, %while3A_94 : i32
    %while3A_96 = arith.constant 1 : i32
    %while3A_97 = scf.for %while3A_107 = %while3A to %while3A_95 step %while3A_96 iter_args(%while3A_108 = %while3A_89) -> (i32)  : i32 {
      %mul3A_109 = arith.constant 64 : i32
      %mul3A_110 = arith.muli %while3A_107, %mul3A_109 : i32
      %add3A_111 = arith.constant 0 : i32
      %add3A_112 = arith.addi %mul3A_110, %add3A_111 : i32
      %get3A = arith.index_cast %add3A_112 : i32 to index
      %get3A_113 = tpu.vector_load %arg9[%get3A] {strides = array<i32>} : memref<10064xi32, #tpu.memory_space<vmem>>, vector<16xi32>,
      %swap3A_114 = arith.constant 0 : index
      %swap3A_115 = tpu.vector_load %arg11[%swap3A_114] {strides = array<i32>} : memref<64xi32, #tpu.memory_space<vmem>>, vector<16xi32>,
      tpu.vector_store %arg11[%swap3A_114], %get3A_113 {strides = array<i32>} : memref<64xi32, #tpu.memory_space<vmem>>, vector<16xi32>,
      %add3A_116 = arith.constant 0 : i32
      %add3A_117 = arith.addi %mul3A_110, %add3A_116 : i32
      %get3A_118 = arith.index_cast %add3A_117 : i32 to index
      %get3A_119 = tpu.vector_load %arg8[%get3A_118] {strides = array<i32>} : memref<10064xi32, #tpu.memory_space<vmem>>, vector<16xi32>,
      %swap3A_120 = arith.constant 0 : index
      %swap3A_121 = tpu.vector_load %arg12[%swap3A_120] {strides = array<i32>} : memref<64xi32, #tpu.memory_space<vmem>>, vector<16xi32>,
      tpu.vector_store %arg12[%swap3A_120], %get3A_119 {strides = array<i32>} : memref<64xi32, #tpu.memory_space<vmem>>, vector<16xi32>,
      %add3A_122 = arith.constant 16 : i32
      %add3A_123 = arith.addi %mul3A_110, %add3A_122 : i32
      %get3A_124 = arith.index_cast %add3A_123 : i32 to index
      %get3A_125 = tpu.vector_load %arg9[%get3A_124] {strides = array<i32>} : memref<10064xi32, #tpu.memory_space<vmem>>, vector<16xi32>,
      %swap3A_126 = arith.constant 16 : index
      %swap3A_127 = tpu.vector_load %arg11[%swap3A_126] {strides = array<i32>} : memref<64xi32, #tpu.memory_space<vmem>>, vector<16xi32>,
      tpu.vector_store %arg11[%swap3A_126], %get3A_125 {strides = array<i32>} : memref<64xi32, #tpu.memory_space<vmem>>, vector<16xi32>,
      %add3A_128 = arith.constant 16 : i32
      %add3A_129 = arith.addi %mul3A_110, %add3A_128 : i32
      %get3A_130 = arith.index_cast %add3A_129 : i32 to index
      %get3A_131 = tpu.vector_load %arg8[%get3A_130] {strides = array<i32>} : memref<10064xi32, #tpu.memory_space<vmem>>, vector<16xi32>,
      %swap3A_132 = arith.constant 16 : index
      %swap3A_133 = tpu.vector_load %arg12[%swap3A_132] {strides = array<i32>} : memref<64xi32, #tpu.memory_space<vmem>>, vector<16xi32>,
      tpu.vector_store %arg12[%swap3A_132], %get3A_131 {strides = array<i32>} : memref<64xi32, #tpu.memory_space<vmem>>, vector<16xi32>,
      %add3A_134 = arith.constant 32 : i32
      %add3A_135 = arith.addi %mul3A_110, %add3A_134 : i32
      %get3A_136 = arith.index_cast %add3A_135 : i32 to index
      %get3A_137 = tpu.vector_load %arg9[%get3A_136] {strides = array<i32>} : memref<10064xi32, #tpu.memory_space<vmem>>, vector<16xi32>,
      %swap3A_138 = arith.constant 32 : index
      %swap3A_139 = tpu.vector_load %arg11[%swap3A_138] {strides = array<i32>} : memref<64xi32, #tpu.memory_space<vmem>>, vector<16xi32>,
      tpu.vector_store %arg11[%swap3A_138], %get3A_137 {strides = array<i32>} : memref<64xi32, #tpu.memory_space<vmem>>, vector<16xi32>,
      %add3A_140 = arith.constant 32 : i32
      %add3A_141 = arith.addi %mul3A_110, %add3A_140 : i32
      %get3A_142 = arith.index_cast %add3A_141 : i32 to index
      %get3A_143 = tpu.vector_load %arg8[%get3A_142] {strides = array<i32>} : memref<10064xi32, #tpu.memory_space<vmem>>, vector<16xi32>,
      %swap3A_144 = arith.constant 32 : index
      %swap3A_145 = tpu.vector_load %arg12[%swap3A_144] {strides = array<i32>} : memref<64xi32, #tpu.memory_space<vmem>>, vector<16xi32>,
      tpu.vector_store %arg12[%swap3A_144], %get3A_143 {strides = array<i32>} : memref<64xi32, #tpu.memory_space<vmem>>, vector<16xi32>,
      %add3A_146 = arith.constant 48 : i32
      %add3A_147 = arith.addi %mul3A_110, %add3A_146 : i32
      %get3A_148 = arith.index_cast %add3A_147 : i32 to index
      %get3A_149 = tpu.vector_load %arg9[%get3A_148] {strides = array<i32>} : memref<10064xi32, #tpu.memory_space<vmem>>, vector<16xi32>,
      %swap3A_150 = arith.constant 48 : index
      %swap3A_151 = tpu.vector_load %arg11[%swap3A_150] {strides = array<i32>} : memref<64xi32, #tpu.memory_space<vmem>>, vector<16xi32>,
      tpu.vector_store %arg11[%swap3A_150], %get3A_149 {strides = array<i32>} : memref<64xi32, #tpu.memory_space<vmem>>, vector<16xi32>,
      %add3A_152 = arith.constant 48 : i32
      %add3A_153 = arith.addi %mul3A_110, %add3A_152 : i32
      %get3A_154 = arith.index_cast %add3A_153 : i32 to index
      %get3A_155 = tpu.vector_load %arg8[%get3A_154] {strides = array<i32>} : memref<10064xi32, #tpu.memory_space<vmem>>, vector<16xi32>,
      %swap3A_156 = arith.constant 48 : index
      %swap3A_157 = tpu.vector_load %arg12[%swap3A_156] {strides = array<i32>} : memref<64xi32, #tpu.memory_space<vmem>>, vector<16xi32>,
      tpu.vector_store %arg12[%swap3A_156], %get3A_155 {strides = array<i32>} : memref<64xi32, #tpu.memory_space<vmem>>, vector<16xi32>,
      %dma_start3A = arith.constant 0 : i32
      %dma_start3A_158 = arith.constant 0 : i32
      %dma_start3A_159 = tpu.memref_slice %arg2[%dma_start3A, %dma_start3A_158] : memref<10000x272xf32, #tpu.memory_space<hbm>> -> memref<10000x272xf32, #tpu.memory_space<hbm>>
      tpu.enqueue_indirect_dma source(%dma_start3A_159 : memref<10000x272xf32, #tpu.memory_space<hbm>>) target(%arg10 : memref<64x272xf32, #tpu.memory_space<vmem>>) offsets(%arg12 : memref<64xi32, #tpu.memory_space<vmem>>) semaphore(%arg14 : memref<!tpu.dma_semaphore, #tpu.memory_space<semaphore_mem>>)
      %dma_wait3A = arith.constant 0 : i32
      %dma_wait3A_160 = arith.constant 0 : i32
      %dma_wait3A_161 = tpu.memref_slice %arg2[%dma_wait3A, %dma_wait3A_160] : memref<10000x272xf32, #tpu.memory_space<hbm>> -> memref<10000x272xf32, #tpu.memory_space<hbm>>
      tpu.wait_indirect_dma semaphore(%arg14 : memref<!tpu.dma_semaphore, #tpu.memory_space<semaphore_mem>>) src(%dma_wait3A_161 : memref<10000x272xf32, #tpu.memory_space<hbm>>) dst(%arg10 : memref<64x272xf32, #tpu.memory_space<vmem>>)
      %while3A_162 = arith.constant 0 : i32
      scf.yield %while3A_162 : i32
    }
    %while3A_98 = arith.constant 1 : i32
    %while3A_99 = scf.for %while3A_107 = %while3A_95 to %while3A_91 step %while3A_98 iter_args(%while3A_108 = %while3A_97) -> (i32)  : i32 {
      %mul3A_109 = arith.constant 64 : i32
      %mul3A_110 = arith.muli %while3A_107, %mul3A_109 : i32
      %add3A_111 = arith.constant 0 : i32
      %add3A_112 = arith.addi %mul3A_110, %add3A_111 : i32
      %get3A = arith.index_cast %add3A_112 : i32 to index
      %get3A_113 = tpu.vector_load %arg9[%get3A] {strides = array<i32>} : memref<10064xi32, #tpu.memory_space<vmem>>, vector<16xi32>,
      %swap3A_114 = arith.constant 0 : index
      %swap3A_115 = tpu.vector_load %arg11[%swap3A_114] {strides = array<i32>} : memref<64xi32, #tpu.memory_space<vmem>>, vector<16xi32>,
      tpu.vector_store %arg11[%swap3A_114], %get3A_113 {strides = array<i32>} : memref<64xi32, #tpu.memory_space<vmem>>, vector<16xi32>,
      %add3A_116 = arith.constant 0 : i32
      %add3A_117 = arith.addi %mul3A_110, %add3A_116 : i32
      %get3A_118 = arith.index_cast %add3A_117 : i32 to index
      %get3A_119 = tpu.vector_load %arg8[%get3A_118] {strides = array<i32>} : memref<10064xi32, #tpu.memory_space<vmem>>, vector<16xi32>,
      %swap3A_120 = arith.constant 0 : index
      %swap3A_121 = tpu.vector_load %arg12[%swap3A_120] {strides = array<i32>} : memref<64xi32, #tpu.memory_space<vmem>>, vector<16xi32>,
      tpu.vector_store %arg12[%swap3A_120], %get3A_119 {strides = array<i32>} : memref<64xi32, #tpu.memory_space<vmem>>, vector<16xi32>,
      %add3A_122 = arith.constant 16 : i32
      %add3A_123 = arith.addi %mul3A_110, %add3A_122 : i32
      %get3A_124 = arith.index_cast %add3A_123 : i32 to index
      %get3A_125 = tpu.vector_load %arg9[%get3A_124] {strides = array<i32>} : memref<10064xi32, #tpu.memory_space<vmem>>, vector<16xi32>,
      %swap3A_126 = arith.constant 16 : index
      %swap3A_127 = tpu.vector_load %arg11[%swap3A_126] {strides = array<i32>} : memref<64xi32, #tpu.memory_space<vmem>>, vector<16xi32>,
      tpu.vector_store %arg11[%swap3A_126], %get3A_125 {strides = array<i32>} : memref<64xi32, #tpu.memory_space<vmem>>, vector<16xi32>,
      %add3A_128 = arith.constant 16 : i32
      %add3A_129 = arith.addi %mul3A_110, %add3A_128 : i32
      %get3A_130 = arith.index_cast %add3A_129 : i32 to index
      %get3A_131 = tpu.vector_load %arg8[%get3A_130] {strides = array<i32>} : memref<10064xi32, #tpu.memory_space<vmem>>, vector<16xi32>,
      %swap3A_132 = arith.constant 16 : index
      %swap3A_133 = tpu.vector_load %arg12[%swap3A_132] {strides = array<i32>} : memref<64xi32, #tpu.memory_space<vmem>>, vector<16xi32>,
      tpu.vector_store %arg12[%swap3A_132], %get3A_131 {strides = array<i32>} : memref<64xi32, #tpu.memory_space<vmem>>, vector<16xi32>,
      %add3A_134 = arith.constant 32 : i32
      %add3A_135 = arith.addi %mul3A_110, %add3A_134 : i32
      %get3A_136 = arith.index_cast %add3A_135 : i32 to index
      %get3A_137 = tpu.vector_load %arg9[%get3A_136] {strides = array<i32>} : memref<10064xi32, #tpu.memory_space<vmem>>, vector<16xi32>,
      %swap3A_138 = arith.constant 32 : index
      %swap3A_139 = tpu.vector_load %arg11[%swap3A_138] {strides = array<i32>} : memref<64xi32, #tpu.memory_space<vmem>>, vector<16xi32>,
      tpu.vector_store %arg11[%swap3A_138], %get3A_137 {strides = array<i32>} : memref<64xi32, #tpu.memory_space<vmem>>, vector<16xi32>,
      %add3A_140 = arith.constant 32 : i32
      %add3A_141 = arith.addi %mul3A_110, %add3A_140 : i32
      %get3A_142 = arith.index_cast %add3A_141 : i32 to index
      %get3A_143 = tpu.vector_load %arg8[%get3A_142] {strides = array<i32>} : memref<10064xi32, #tpu.memory_space<vmem>>, vector<16xi32>,
      %swap3A_144 = arith.constant 32 : index
      %swap3A_145 = tpu.vector_load %arg12[%swap3A_144] {strides = array<i32>} : memref<64xi32, #tpu.memory_space<vmem>>, vector<16xi32>,
      tpu.vector_store %arg12[%swap3A_144], %get3A_143 {strides = array<i32>} : memref<64xi32, #tpu.memory_space<vmem>>, vector<16xi32>,
      %add3A_146 = arith.constant 48 : i32
      %add3A_147 = arith.addi %mul3A_110, %add3A_146 : i32
      %get3A_148 = arith.index_cast %add3A_147 : i32 to index
      %get3A_149 = tpu.vector_load %arg9[%get3A_148] {strides = array<i32>} : memref<10064xi32, #tpu.memory_space<vmem>>, vector<16xi32>,
      %swap3A_150 = arith.constant 48 : index
      %swap3A_151 = tpu.vector_load %arg11[%swap3A_150] {strides = array<i32>} : memref<64xi32, #tpu.memory_space<vmem>>, vector<16xi32>,
      tpu.vector_store %arg11[%swap3A_150], %get3A_149 {strides = array<i32>} : memref<64xi32, #tpu.memory_space<vmem>>, vector<16xi32>,
      %add3A_152 = arith.constant 48 : i32
      %add3A_153 = arith.addi %mul3A_110, %add3A_152 : i32
      %get3A_154 = arith.index_cast %add3A_153 : i32 to index
      %get3A_155 = tpu.vector_load %arg8[%get3A_154] {strides = array<i32>} : memref<10064xi32, #tpu.memory_space<vmem>>, vector<16xi32>,
      %swap3A_156 = arith.constant 48 : index
      %swap3A_157 = tpu.vector_load %arg12[%swap3A_156] {strides = array<i32>} : memref<64xi32, #tpu.memory_space<vmem>>, vector<16xi32>,
      tpu.vector_store %arg12[%swap3A_156], %get3A_155 {strides = array<i32>} : memref<64xi32, #tpu.memory_space<vmem>>, vector<16xi32>,
      %dma_start3A = arith.constant 0 : i32
      %dma_start3A_158 = arith.constant 0 : i32
      %dma_start3A_159 = tpu.memref_slice %arg2[%dma_start3A, %dma_start3A_158] : memref<10000x272xf32, #tpu.memory_space<hbm>> -> memref<10000x272xf32, #tpu.memory_space<hbm>>
      tpu.enqueue_indirect_dma source(%dma_start3A_159 : memref<10000x272xf32, #tpu.memory_space<hbm>>) target(%arg10 : memref<64x272xf32, #tpu.memory_space<vmem>>) offsets(%arg12 : memref<64xi32, #tpu.memory_space<vmem>>) semaphore(%arg14 : memref<!tpu.dma_semaphore, #tpu.memory_space<semaphore_mem>>)
      %dma_wait3A = arith.constant 0 : i32
      %dma_wait3A_160 = arith.constant 0 : i32
      %dma_wait3A_161 = tpu.memref_slice %arg2[%dma_wait3A, %dma_wait3A_160] : memref<10000x272xf32, #tpu.memory_space<hbm>> -> memref<10000x272xf32, #tpu.memory_space<hbm>>
      tpu.wait_indirect_dma semaphore(%arg14 : memref<!tpu.dma_semaphore, #tpu.memory_space<semaphore_mem>>) src(%dma_wait3A_161 : memref<10000x272xf32, #tpu.memory_space<hbm>>) dst(%arg10 : memref<64x272xf32, #tpu.memory_space<vmem>>)
      %while3A_162 = arith.constant 0 : i32
      scf.yield %while3A_162 : i32
    }
    %barrier3A_100 = arith.constant 0 : index
    tpu.barrier barrier_id(%barrier3A_100)
    %lt3A = arith.constant 15 : i32
    %lt3A_101 = arith.cmpi slt, %arg1, %lt3A : i32
    %convert_element_type3A = arith.extui %lt3A_101 : i1 to i32
    %cond3A = arith.constant 0 : i32
    %cond3A_102 = arith.cmpi ne, %convert_element_type3A, %cond3A : i32
    scf.if %cond3A_102 {
      %mul3A_107 = arith.constant 320 : i32
      %mul3A_108 = arith.muli %arg1, %mul3A_107 : i32
      %mul3A_109 = arith.constant 320 : i32
      %mul3A_110 = arith.muli %arg1, %mul3A_109 : i32
      %add3A_111 = arith.addi %mul3A_0, %mul3A_110 : i32
      "tpu.region"() ({
        %run_scoped3A = tpu.sem_alloc : memref<!tpu.dma_semaphore, #tpu.memory_space<semaphore_mem>>
        %dma_start3A = arith.constant 0 : i32
        %dma_start3A_112 = tpu.memref_slice %arg5[%add3A_111, %dma_start3A] : memref<10000x272xf32, #tpu.memory_space<hbm>> -> memref<320x272xf32, #tpu.memory_space<hbm>>
        %dma_start3A_113 = arith.constant 0 : i32
        %dma_start3A_114 = tpu.memref_slice %arg13[%mul3A_108, %dma_start3A_113] : memref<5120x272xf32, #tpu.memory_space<vmem_shared>> -> memref<320x272xf32, #tpu.memory_space<vmem_shared>>
        tpu.enqueue_dma source(%dma_start3A_114 : memref<320x272xf32, #tpu.memory_space<vmem_shared>>) target(%dma_start3A_112 : memref<320x272xf32, #tpu.memory_space<hbm>>) target_semaphore(%run_scoped3A : memref<!tpu.dma_semaphore, #tpu.memory_space<semaphore_mem>>)
        %dma_wait3A = arith.constant 0 : i32
        %dma_wait3A_115 = tpu.memref_slice %arg5[%add3A_111, %dma_wait3A] : memref<10000x272xf32, #tpu.memory_space<hbm>> -> memref<320x272xf32, #tpu.memory_space<hbm>>
        %dma_wait3A_116 = arith.constant 0 : i32
        %dma_wait3A_117 = tpu.memref_slice %arg13[%mul3A_108, %dma_wait3A_116] : memref<5120x272xf32, #tpu.memory_space<vmem_shared>> -> memref<320x272xf32, #tpu.memory_space<vmem_shared>>
        tpu.wait_dma2 semaphore(%run_scoped3A : memref<!tpu.dma_semaphore, #tpu.memory_space<semaphore_mem>>) src(%dma_wait3A_117 : memref<320x272xf32, #tpu.memory_space<vmem_shared>>) dst(%dma_wait3A_115 : memref<320x272xf32, #tpu.memory_space<hbm>>)
        tpu.yield
      }) : () -> ()
    } else {
    }
    %eq3A = arith.constant 15 : i32
    %eq3A_103 = arith.cmpi eq, %arg1, %eq3A : i32
    %convert_element_type3A_104 = arith.extui %eq3A_103 : i1 to i32
    %cond3A_105 = arith.constant 0 : i32
    %cond3A_106 = arith.cmpi ne, %convert_element_type3A_104, %cond3A_105 : i32
    scf.if %cond3A_106 {
      %add3A_107 = arith.constant 4800 : i32
      %add3A_108 = arith.addi %mul3A_0, %add3A_107 : i32
      "tpu.region"() ({
        %run_scoped3A = tpu.sem_alloc : memref<!tpu.dma_semaphore, #tpu.memory_space<semaphore_mem>>
        %dma_start3A = arith.constant 0 : i32
        %dma_start3A_109 = tpu.memref_slice %arg5[%add3A_108, %dma_start3A] : memref<10000x272xf32, #tpu.memory_space<hbm>> -> memref<200x272xf32, #tpu.memory_space<hbm>>
        %dma_start3A_110 = arith.constant 4800 : i32
        %dma_start3A_111 = arith.constant 0 : i32
        %dma_start3A_112 = tpu.memref_slice %arg13[%dma_start3A_110, %dma_start3A_111] : memref<5120x272xf32, #tpu.memory_space<vmem_shared>> -> memref<200x272xf32, #tpu.memory_space<vmem_shared>>
        tpu.enqueue_dma source(%dma_start3A_112 : memref<200x272xf32, #tpu.memory_space<vmem_shared>>) target(%dma_start3A_109 : memref<200x272xf32, #tpu.memory_space<hbm>>) target_semaphore(%run_scoped3A : memref<!tpu.dma_semaphore, #tpu.memory_space<semaphore_mem>>)
        %dma_wait3A = arith.constant 0 : i32
        %dma_wait3A_113 = tpu.memref_slice %arg5[%add3A_108, %dma_wait3A] : memref<10000x272xf32, #tpu.memory_space<hbm>> -> memref<200x272xf32, #tpu.memory_space<hbm>>
        %dma_wait3A_114 = arith.constant 4800 : i32
        %dma_wait3A_115 = arith.constant 0 : i32
        %dma_wait3A_116 = tpu.memref_slice %arg13[%dma_wait3A_114, %dma_wait3A_115] : memref<5120x272xf32, #tpu.memory_space<vmem_shared>> -> memref<200x272xf32, #tpu.memory_space<vmem_shared>>
        tpu.wait_dma2 semaphore(%run_scoped3A : memref<!tpu.dma_semaphore, #tpu.memory_space<semaphore_mem>>) src(%dma_wait3A_116 : memref<200x272xf32, #tpu.memory_space<vmem_shared>>) dst(%dma_wait3A_113 : memref<200x272xf32, #tpu.memory_space<hbm>>)
        tpu.yield
      }) : () -> ()
    } else {
    }
    return
  }
}

module attributes {stable_mosaic.version = 14 : i64} {
  func.func @body(%arg0: i32, %arg1: memref<2000x256xf32, #tpu.memory_space<vmem>>, %arg2: memref<2000x272xf32, #tpu.memory_space<vmem>>, %arg3: memref<256x256xf32, #tpu.memory_space<vmem>>, %arg4: memref<256x256xf32, #tpu.memory_space<vmem>>, %arg5: memref<1x256xf32, #tpu.memory_space<vmem>>, %arg6: memref<2000x256xf32, #tpu.memory_space<vmem>>) attributes {dimension_semantics = [#tpu.dimension_semantics<arbitrary>], iteration_bounds = array<i64: 5>, scalar_prefetch = 0 : i64, scratch_operands = 0 : i64, tpu.core_type = #tpu.core_type<tc>, window_params = [{transform_indices = @transform_0, window_bounds = array<i64: 2000, 256>}, {transform_indices = @transform_1, window_bounds = array<i64: 2000, 272>}, {pipeline_mode = #tpu.pipeline_mode<synchronous>, transform_indices = @transform_2, window_bounds = array<i64: 256, 256>}, {pipeline_mode = #tpu.pipeline_mode<synchronous>, transform_indices = @transform_3, window_bounds = array<i64: 256, 256>}, {pipeline_mode = #tpu.pipeline_mode<synchronous>, transform_indices = @transform_4, window_bounds = array<i64: 1, 256>}, {transform_indices = @transform_5, window_bounds = array<i64: 2000, 256>}]} {
    %get3A = arith.constant 0 : index
    %get3A_0 = arith.constant 0 : index
    %get3A_1 = vector.load %arg2[%get3A, %get3A_0] : memref<2000x272xf32, #tpu.memory_space<vmem>>, vector<2000x256xf32>
    %get3A_2 = arith.constant 0 : index
    %get3A_3 = arith.constant 256 : index
    %get3A_4 = vector.load %arg2[%get3A_2, %get3A_3] : memref<2000x272xf32, #tpu.memory_space<vmem>>, vector<2000x1xf32>
    %max3A = arith.constant 1.000000e+00 : f32
    %max3A_5 = vector.broadcast %max3A : f32 to vector<2000x1xf32>
    %max3A_6 = arith.maximumf %get3A_4, %max3A_5 : vector<2000x1xf32>
    %div3A = arith.constant 1.000000e+00 : f32
    %div3A_7 = vector.broadcast %div3A : f32 to vector<2000x1xf32>
    %div3A_8 = arith.divf %div3A_7, %max3A_6 : vector<2000x1xf32>
    %mul3A = vector.broadcast %div3A_8 : vector<2000x1xf32> to vector<2000x256xf32>
    %mul3A_9 = arith.mulf %get3A_1, %mul3A : vector<2000x256xf32>
    %get3A_10 = arith.constant 0 : index
    %get3A_11 = arith.constant 0 : index
    %get3A_12 = vector.load %arg1[%get3A_10, %get3A_11] : memref<2000x256xf32, #tpu.memory_space<vmem>>, vector<2000x256xf32>
    %get3A_13 = arith.constant 0 : index
    %get3A_14 = arith.constant 0 : index
    %get3A_15 = vector.load %arg3[%get3A_13, %get3A_14] : memref<256x256xf32, #tpu.memory_space<vmem>>, vector<256x256xf32>
    %dot_general3A = arith.constant dense<0.000000e+00> : vector<2000x256xf32>
    %dot_general3A_16 = tpu.matmul %get3A_12, %get3A_15, %dot_general3A {dimension_numbers = #tpu.dot_dimension_numbers<[1], [0], [0], [1], [0, 0, 1, 1], [], []>, transpose_lhs_hint = false} : vector<2000x256xf32>, vector<256x256xf32>, vector<2000x256xf32> -> vector<2000x256xf32>
    %get3A_17 = arith.constant 0 : index
    %get3A_18 = arith.constant 0 : index
    %get3A_19 = vector.load %arg4[%get3A_17, %get3A_18] : memref<256x256xf32, #tpu.memory_space<vmem>>, vector<256x256xf32>
    %dot_general3A_20 = arith.constant dense<0.000000e+00> : vector<2000x256xf32>
    %dot_general3A_21 = tpu.matmul %mul3A_9, %get3A_19, %dot_general3A_20 {dimension_numbers = #tpu.dot_dimension_numbers<[1], [0], [0], [1], [0, 0, 1, 1], [], []>, transpose_lhs_hint = false} : vector<2000x256xf32>, vector<256x256xf32>, vector<2000x256xf32> -> vector<2000x256xf32>
    %add3A = arith.addf %dot_general3A_16, %dot_general3A_21 : vector<2000x256xf32>
    %get3A_22 = arith.constant 0 : index
    %get3A_23 = arith.constant 0 : index
    %get3A_24 = vector.load %arg5[%get3A_22, %get3A_23] : memref<1x256xf32, #tpu.memory_space<vmem>>, vector<1x256xf32>
    %add3A_25 = vector.broadcast %get3A_24 : vector<1x256xf32> to vector<2000x256xf32>
    %add3A_26 = arith.addf %add3A, %add3A_25 : vector<2000x256xf32>
    %swap3A = arith.constant 0 : index
    %swap3A_27 = arith.constant 0 : index
    %swap3A_28 = vector.load %arg6[%swap3A, %swap3A_27] : memref<2000x256xf32, #tpu.memory_space<vmem>>, vector<2000x256xf32>
    tpu.vector_store %arg6[%swap3A, %swap3A_27], %add3A_26 {strides = array<i32>} : memref<2000x256xf32, #tpu.memory_space<vmem>>, vector<2000x256xf32>,
    return
  }
  func.func @transform_0(%arg0: i32) -> (i32, i32) {
    %c0_i32 = arith.constant 0 : i32
    %c0_i32_0 = arith.constant 0 : i32
    return %arg0, %c0_i32 : i32, i32
  }
  func.func @transform_1(%arg0: i32) -> (i32, i32) {
    %c0_i32 = arith.constant 0 : i32
    %c0_i32_0 = arith.constant 0 : i32
    return %arg0, %c0_i32 : i32, i32
  }
  func.func @transform_2(%arg0: i32) -> (i32, i32) {
    %c0_i32 = arith.constant 0 : i32
    %c0_i32_0 = arith.constant 0 : i32
    %c0_i32_1 = arith.constant 0 : i32
    return %c0_i32, %c0_i32_0 : i32, i32
  }
  func.func @transform_3(%arg0: i32) -> (i32, i32) {
    %c0_i32 = arith.constant 0 : i32
    %c0_i32_0 = arith.constant 0 : i32
    %c0_i32_1 = arith.constant 0 : i32
    return %c0_i32, %c0_i32_0 : i32, i32
  }
  func.func @transform_4(%arg0: i32) -> (i32, i32) {
    %c0_i32 = arith.constant 0 : i32
    %c0_i32_0 = arith.constant 0 : i32
    %c0_i32_1 = arith.constant 0 : i32
    return %c0_i32, %c0_i32_0 : i32, i32
  }
  func.func @transform_5(%arg0: i32) -> (i32, i32) {
    %c0_i32 = arith.constant 0 : i32
    %c0_i32_0 = arith.constant 0 : i32
    return %arg0, %c0_i32 : i32, i32
  }
}

</mosaic_0001>

<sc_bundles>
// kernel: kernel.4.cloned.1.call-start
scs
__scs_entry_jumppad:
0x0: {  	(pc) =	sbr.rel $0x88, $3  }
0x1: {  	(tag) =	ssettag $0x0;
	lr =	simm.s32 $0x1  }
0x2: {  	[smem:$0x3F9B] =	sst lr;
	_ =	strace $0xD0000000  }
0x3: {  	_ = 	snop  }
0x4: {  	_ = 	snop  }
0x5: {  	_ = 	snop  }
0x6: {  	_ = 	snop  }
0x7: {  	_ = 	snop  }
__scs_overlays_trampoline_lowered:
0x8: {  	[smem:$0x3FAA] =	sst s0  }
0x9: {  	[smem:$0x3FAB] =	sst s1  }
0xa: {  	[smem:$0x3FAC] =	sst s2  }
0xb: {  	[smem:$0x3FAD] =	sst s3  }
0xc: {  	[smem:$0x3FAE] =	sst s4  }
0xd: {  	[smem:$0x3FAF] =	sst s5  }
0xe: {  	[smem:$0x3FB0] =	sst s6  }
0xf: {  	[smem:$0x3FB1] =	sst s7  }
0x10: {  	[smem:$0x3FB2] =	sst s8  }
0x11: {  	[smem:$0x3FB3] =	sst s9;
	s0 =	simm.s32 @!p0 $0x0  }
0x12: {  	s1 =	sld [smem:$0x3F99];
	s0 =	simm.s32 @p0 $0x1  }
0x13: {  	[smem:$0x3FB4] =	sst s0;
	s0 =	simm.s32 @!p1 $0x0  }
0x14: {  	s2 =	sld [smem:$0x3F98];
	s0 =	simm.s32 @p1 $0x1  }
0x15: {  	[smem:$0x3FB5] =	sst s0;
	s0 =	simm.s32 @!p2 $0x0  }
0x16: {  	s3 =	sld [smem:$0x3FDB];
	s0 =	simm.s32 @p2 $0x1  }
0x17: {  	s4 =	simm.s32 $0x1BF5;
	[smem:$0x3FB7] =	sst s0  }
0x18: {  	s0 =	sld [smem:$0x3F9A];
	_ =	swait.ge [sflag:s4], $0x0  }
0x19: {  	s7 =	sld [smem:$0x3F9B]  }
0x1a: {  	s8 =	sadd.s32 $0xFFFFE003, lr  }
0x1b: {  	s9 =	sadd.s32 $0xFFFFFEF7, lr;
	s5 =	simm.s32 $0xFFFFFFFF;
	p2 =	slt.u32 s8, $0xFFFFF086  }
0x1c: {  	p1 =	slt.u32 s9, $0xF7A;
	s5 =	simm.s32 @!p2 $0x0  }
0x1d: {  	s5 =	simm.s32 @p1 $0x1;
	p0 =	seq.s32 s7, s2  }
0x1e: {  	s7 =	smul.u32 @!p0 $0xF7A, s2;
	p2 =	seq.s32 @!p0 s5, $0x0  }
0x1f: {  	s9 =	smul.u32 $0xF7A, s1;
	s8 =	simm.s32 @!p0 $0x1BF5;
	p2 =	por !p2, p0  }
0x20: {  	[sflag:s8] =	ssyncset.s32 @!p0 $0xFFFFF086;
	s6 =	sadd.s32 @!p0 s3, s7;
	s7 =	simm.s32 @!p0 $0x108  }
0x21: {  	s3 =	sadd.s32 s3, s9;
	s6 =	sadd.s32 @!p0 $0x88, s6;
	s7 =	simm.s32 @p2 $0x1082  }
0x22: {  	[simem:s7], [sflag:s8] =	dma.local @!p0 [hbm:s6], $0xF7A  }
0x23: {  	s9 =	sor.u32 $0xD0000000, s2;
	s6 =	simm.s32 $0x108;
	_ =	swait.ge @!p0 [sflag:s8], $0x0  }
0x24: {  	s3 =	sadd.s32 $0x88, s3;
	s6 =	simm.s32 @!p1 $0x1082;
	[sflag:s4] =	ssyncset.s32 $0xFFFFF086  }
0x25: {  	[simem:s6], [sflag:s4] =	dma.local [hbm:s3], $0xF7A  }
0x26: {  	[smem:$0x3F9B] =	sst s1;
	(tag) =	ssettag s2;
	_ =	strace s9  }
0x27: {  	s1 =	sld [smem:$0x3FAB]  }
0x28: {  	s2 =	sld [smem:$0x3FAC]  }
0x29: {  	s4 =	sld [smem:$0x3FAE]  }
0x2a: {  	p0 =	seq.s32 s5, $0x0;
	s5 =	sld [smem:$0x3FAF]  }
0x2b: {  	s6 =	sld [smem:$0x3FB0]  }
0x2c: {  	s7 =	sld [smem:$0x3FB1]  }
0x2d: {  	s3 =	simm.s32 $0x108;
	s8 =	sld [smem:$0x3FB2]  }
0x2e: {  	s3 =	simm.s32 @!p0 $0x1082;
	s9 =	sld [smem:$0x3FB3]  }
0x2f: {  	lr =	sadd.s32 s0, s3;
	s0 =	sld [smem:$0x3FAA]  }
0x30: {  	s3 =	sld [smem:$0x3FAD]  }
0x31: {  	[smem:$0x3FB6] =	sst s10  }
0x32: {  	s10 =	sld [smem:$0x3FB4];
	_ =	sdelay $0x3  }
0x33: {  	p0 =	seq.s32 s10, $0x1;
	s10 =	sld [smem:$0x3FB6];
	_ =	sdelay $0x3  }
0x34: {  	[smem:$0x3FB6] =	sst s10  }
0x35: {  	s10 =	sld [smem:$0x3FB5];
	_ =	sdelay $0x3  }
0x36: {  	p1 =	seq.s32 s10, $0x1;
	s10 =	sld [smem:$0x3FB6];
	_ =	sdelay $0x3  }
0x37: {  	[smem:$0x3FB6] =	sst s10  }
0x38: {  	s10 =	sld [smem:$0x3FB7]  }
0x39: {  	_ = 	snop;
	(pc) =	sbr.ind lr, $3  }
0x3a: {  	_ = 	snop  }
0x3b: {  	_ = 	snop  }
0x3c: {  	p2 =	seq.s32 s10, $0x1;
	s10 =	sld [smem:$0x3FB6]  }
0x3d: {  	_ =	shalt  }
0x3e: {  	_ =	shalt  }
0x3f: {  	_ =	shalt  }
0x40: {  	_ =	shalt  }
0x41: {  	_ =	shalt  }
0x42: {  	_ =	shalt  }
0x43: {  	_ =	shalt  }
0x44: {  	_ =	shalt  }
0x45: {  	_ =	shalt  }
0x46: {  	_ =	shalt  }
0x47: {  	_ =	shalt  }
0x48: {  	_ =	shalt  }
0x49: {  	_ =	shalt  }
0x4a: {  	_ =	shalt  }
0x4b: {  	_ =	shalt  }
0x4c: {  	_ =	shalt  }
0x4d: {  	_ =	shalt  }
0x4e: {  	_ =	shalt  }
0x4f: {  	_ =	shalt  }
0x50: {  	_ =	shalt  }
0x51: {  	_ =	shalt  }
0x52: {  	_ =	shalt  }
0x53: {  	_ =	shalt  }
0x54: {  	_ =	shalt  }
0x55: {  	_ =	shalt  }
0x56: {  	_ =	shalt  }
0x57: {  	_ =	shalt  }
0x58: {  	_ =	shalt  }
0x59: {  	_ =	shalt  }
0x5a: {  	_ =	shalt  }
0x5b: {  	_ =	shalt  }
0x5c: {  	_ =	shalt  }
0x5d: {  	_ =	shalt  }
0x5e: {  	_ =	shalt  }
0x5f: {  	_ =	shalt  }
0x60: {  	_ =	shalt  }
0x61: {  	_ =	shalt  }
0x62: {  	_ =	shalt  }
0x63: {  	_ =	shalt  }
0x64: {  	_ =	shalt  }
0x65: {  	_ =	shalt  }
0x66: {  	_ =	shalt  }
0x67: {  	_ =	shalt  }
0x68: {  	_ =	shalt  }
0x69: {  	_ =	shalt  }
0x6a: {  	_ =	shalt  }
0x6b: {  	_ =	shalt  }
0x6c: {  	_ =	shalt  }
0x6d: {  	_ =	shalt  }
0x6e: {  	_ =	shalt  }
0x6f: {  	_ =	shalt  }
0x70: {  	_ =	shalt  }
0x71: {  	_ =	shalt  }
0x72: {  	_ =	shalt  }
0x73: {  	_ =	shalt  }
0x74: {  	_ =	shalt  }
0x75: {  	_ =	shalt  }
0x76: {  	_ =	shalt  }
0x77: {  	_ =	shalt  }
0x78: {  	_ =	shalt  }
0x79: {  	_ =	shalt  }
0x7a: {  	_ =	shalt  }
0x7b: {  	_ =	shalt  }
0x7c: {  	_ =	shalt  }
0x7d: {  	_ =	shalt  }
0x7e: {  	_ =	shalt  }
0x7f: {  	_ =	shalt  }
0x80: {  	_ =	shalt  }
0x81: {  	_ =	shalt  }
0x82: {  	_ =	shalt  }
0x83: {  	_ =	shalt  }
0x84: {  	_ =	shalt  }
0x85: {  	_ =	shalt  }
0x86: {  	_ =	shalt  }
0x87: {  	_ =	shalt  }
.Lfunc_end0:
.L_simem_size_0:
called_computation_lowered:
.L_overlay_start_0:
0x88: {  	s2 =	sld [smem:$0x3FD9]  }
0x89: {  	s3 =	sld [smem:$0x3FFE];
	_ =	sdelay $0x1  }
0x8a: {  	s1 =	srdreg.scid  }
0x8b: {  	s0 =	sand.u32 $0x1, s1  }
0x8c: {  	s17 =	sshll.u32 s0, $0xA;
	s2 =	sadd.s32 s3, s2  }
0x8d: {  	s2 =	sadd.s32 s2, s17  }
0x8e: {  	[smem:$0x3FC2] =	sst s2  }
0x8f: {  	_ = 	snop  }
0x90: {  	s2 =	sld [smem:$0x3FD0];
	(tm) =	ssettm $0x1  }
0x91: {  	s18 =	sld [smem:$0x3FFB];
	_ =	sdelay $0x3  }
0x92: {  	_ =	strace s18  }
0x93: {  	s3 =	sld [smem:$0x3FFC];
	_ =	sdelay $0x3  }
0x94: {  	_ =	strace s3  }
0x95: {  	s3 =	sld [smem:$0x3FFD];
	_ =	sdelay $0x3  }
0x96: {  	_ =	strace s3  }
0x97: {  	_ =	strace $0x8FFFFFFF  }
0x98: {  	s19 =	sld [smem:$0x3FDB];
	_ =	sdelay $0x1  }
0x99: {  	s4 =	simm.s32 $_scs_section_size  }
0x9a: {  	s5 =	simm.s32 $_size__tile_overlayer_lowered;
	s6 =	simm.s32 $_tile_overlayer_lowered  }
0x9b: {  	s22 =	simm.s32 $0x1BFF;
	s21 =	sshll.u32 s6, $0x1;
	s3 =	sadd.s32 s4, s19  }
0x9c: {  	s7 =	simm.s32 $0x0;
	s20 =	sshll.u32 s5, $0x1;
	s5 =	sadd.s32 s21, s3  }
0x9d: {  	[timem:s7], [sflag:s22] =	dma.local [hbm:s5], s20  }
0x9e: {  	_ =	swait.ge [sflag:s22], s20  }
0x9f: {  	s4 =	ssub.s32 $0x0, s20;
	[sflag:s22] =	ssyncset.done $0x0  }
0xa0: {  	[sflag:s22] =	ssyncadd.s32 s4;
	_ =	sdelay $0x1  }
0xa1: {  	s23 =	simm.s32 $0x1B8B  }
0xa2: {  	_ =	swait.ge [sflag:s23], $0x1  }
0xa3: {  	[sflag:s23] =	ssyncset.done $0x0  }
0xa4: {  	s25 =	simm.s32 $0x1B8E;
	s24 =	sld [smem:$0x3FFE];
	[sflag:s23] =	ssyncadd.s32 $0xFFFFFFFF  }
0xa5: {  	s26 =	simm.s32 $execute0_lowered;
	[smem:$0x3FD2] =	sst s25  }
0xa6: {  	s5 =	sshll.u32 s26, $0x1;
	_ =	strace $0x80000046;
	[dreg:$0x1] =	wrdreg $0xFFFFFFFF  }
0xa7: {  	s28 =	simm.s32 $_size_execute0_lowered;
	s3 =	sadd.s32 s3, s5;
	[dreg:$0x0] =	wrdreg $0x0  }
0xa8: {  	s5 =	sshll.u32 s28, $0x1;
	[dreg:$0x2] =	wrdreg s3  }
0xa9: {  	[dreg:$0x3] =	wrdreg s5  }
0xaa: {  	[dreg:$0x4] =	wrdreg $0xC0  }
0xab: {  	_ =	task [dreg:s7], $0x5FFFF  }
0xac: {  	[dreg:$0x1] =	wrdreg $0xFFFFFFFF  }
0xad: {  	[dreg:$0x0] =	wrdreg $0x60  }
0xae: {  	[dreg:$0x2] =	wrdreg s24  }
0xaf: {  	[dreg:$0x3] =	wrdreg s2  }
0xb0: {  	[dreg:$0x4] =	wrdreg $0xA2C00  }
0xb1: {  	[dreg:$0x5] =	wrdreg $0x9  }
0xb2: {  	_ =	task.clear_ibuf [dreg:s7], $0x6FFFF;
	_ =	strace $0x90000046  }
0xb3: {  	s29 =	simm.s32 $0x9;
	_ =	strace $0x80000048  }
0xb4: {  	_ =	swait.ge [sflag:s29], $0x1  }
0xb5: {  	[sflag:s29] =	ssyncadd.s32 $0xFFFFFFFF  }
0xb6: {  	_ =	strace $0x90000048  }
0xb7: {  	_ =	sfence  }
0xb8: {  	s30 =	sld [smem:$0x0];
	_ =	sdelay $0x2  }
0xb9: {  	s31 =	sshll.u32 s1, $0xD;
	s1 =	sshrl.u32 s1, $0x2  }
0xba: {  	s3 =	sand.u32 $0x4000, s31;
	s1 =	sadd.s32 s1, s30  }
0xbb: {  	s0 =	sor.u32 s3, s0;
	s1 =	sshll.u32 s1, $0x11  }
0xbc: {  	s0 =	sor.u32 s1, s0  }
0xbd: {  	s0 =	sadd.s32 $0x8F2B, s0  }
0xbe: {  	[sflag:s0] =	ssyncadd.remote.s32 $0x1  }
0xbf: {  	_ =	sfence.sel $0xFFFF  }
0xc0: {  	[dreg:$0x0] =	wrdreg $0xFFFFFFFF;
	(pc) =	sbr.abs _section_cstart, $3  }
0xc1: {  	[dreg:$0x1] =	wrdreg $0xFFFFFFFF  }
0xc2: {  	_ =	task.clear_ibuf [dreg:s7], $0x2FFFF;
	_ =	strace $0x9FFFFFFF  }
0xc3: {  	(tm) =	ssettm $0x7FFFFFFF  }
tec
execute0_lowered:
.L_overlay_start_1:
0x0: {  	(tag) =	ssettag $0x1  }
0x1: {  	s6 =	rddreg [dreg:$0x0]  }
0x2: {  	s1 =	rddreg [dreg:$0x1]  }
0x3: {  	s14 =	rddreg [dreg:$0x2]  }
0x4: {  	s0 =	rddreg [dreg:$0x3];
	s2 =	simm.s32 $0x0  }
0x5: {  	s7 =	srdreg.scid;
	s3 =	stileid.u32;
	s17 =	simm.s32 $0x7D0  }
0x6: {  	s18 =	simm.s32 $0xFA0;
	s21 =	simm.s32 $0x40;
	s22 =	simm.s32 $0xA280  }
0x7: {  	[smem:$0x7FF] =	sst s2;
	s4 =	sadd.s32 $0x1200, s6;
	s5 =	sadd.s32 $0x54400, s6  }
0x8: {  	s7 =	sand.u32 $0x1, s7;
	s8 =	smul.u32 $0x55000, s3;
	s12 =	sadd.s32 $0x59400, s6  }
0x9: {  	s10 =	smul.u32 $0x140, s3;
	s23 =	sadd.s32 $0x13EC00, s14;
	p0 =	seq.s32 s3, $0xF  }
0xa: {  	_ =	strace $0x80000047;
	s31 =	ssub.s32 $0x2, s7;
	s19 =	smul.u32 $0x1388, s7  }
0xb: {  	s11 =	smul.u32 $0x14C080, s7;
	s9 =	sshrl.u32 s31, $0x1;
	s8 =	sshrl.u32 s8, $0x2  }
0xc: {  	s23 =	sshrl.u32 @p0 s23, $0x3;
	s15 =	ssub.s32 s31, s9;
	s6 =	sadd.s32 s8, s14  }
0xd: {  	s10 =	sadd.s32 s10, s19;
	s16 =	sshrl.u32 s11, $0x3;
	s11 =	smul.u32 $0x2710, s3  }
.Ltmp0:
0xe: {  	s20 =	sadd.s32 $0x1388, s19;
	v0 =	vmov s19;
	s19 =	simm.s32 $0x36F0;
	(pc) =	sbr.rel .LBB2_1-.Ltmp0, $4  }
0xf: {  	s7 =	sadd.s32 $0x4400, s6;
	s8 =	sadd.s32 $0x8800, s6;
	s9 =	sadd.s32 $0xCC00, s6  }
0x10: {  	v2 =	vmov s3;
	s13 =	smul.u32 $0x22, s10;
	s10 =	sadd.s32 $0x11000, s6;
	s16 =	sadd.s32 s12, s16  }
0x11: {  	v2 =	vor.u32 $0x13F0, v2;
	s14 =	smax.u32 s15, $0x1;
	s15 =	simm.s32 $0x5E40;
	v1 =	vmov s20;
	s20 =	simm.s32 $0x1  }
0x12: {  	v3 =	vimm.f32 $0.0e+00;
	v4 =	vimm.s32 $0x0;
	v2 =	vbroadcast v2, $0x0;
	s12 =	sadd.s32 s12, s13;
	s13 =	sadd.s32 $0x27D80, s16;
	s16 =	simm.s32 $0x2  }
.LBB2_10:
0x13: {  	[sflag:s20] =	ssyncadd.s32 $0xFFFFBC00  }
.LBB2_11:
0x14: {  	[bflag:$0x0] =	sbarrier.arrive $0xFFFF;
	s24 =	simm.s32 @p0 $0x1FC2  }
0x15: {  	[hbm:s13], [sflag:s24] =	dma.local @p0 [spmem:s23], $0x1A90  }
0x16: {  	s24 =	simm.s32 @p0 $0x2  }
0x17: {  	s2 =	sadd.s32 $0x1, s2;
	_ =	swait.ge @p0 [sflag:s24], $0x1A90  }
0x18: {  	s25 =	sshll.u32 @!p0 s3, $0x6;
	p1 =	sne.s32 s2, s14;
	[sflag:s24] =	ssyncset.done @p0 $0x0  }
0x19: {  	[sflag:s24] =	ssyncadd.s32 @p0 $0xFFFFE570;
	s24 =	sor.u32 @!p0 $0x1C02, s25;
	s25 =	sshrl.u32 @!p0 s6, $0x3  }
0x1a: {  	[hbm:s12], [sflag:s24] =	dma.local @!p0 [spmem:s25], $0x2A80  }
.Ltmp1:
0x1b: {  	_ = 	snop;
	(pc) =	sbr.rel @!p1 .LBB2_12-.Ltmp1, $4  }
0x1c: {  	s24 =	simm.s32 @!p0 $0x2  }
0x1d: {  	_ =	swait.ge @!p0 [sflag:s24], $0x2A80  }
0x1e: {  	[sflag:s24] =	ssyncset.done @!p0 $0x0  }
0x1f: {  	[sflag:s24] =	ssyncadd.s32 @!p0 $0xFFFFD580  }
.LBB2_1:
0x20: {  	s24 =	simm.s32 $0x100;
	s25 =	simm.s32 $0x840  }
.LBB2_2:
0x21: {  	p1 =	sne.s32 s25, $0x10FC0;
	[tilespmem:s24+$0x5E40] =	vst v3  }
0x22: {  	[tilespmem:s24+$0x5D40] =	vst v3  }
0x23: {  	[tilespmem:s24+$0x5D50] =	vst v3  }
0x24: {  	[tilespmem:s24+$0x5D60] =	vst v3  }
0x25: {  	[tilespmem:s24+$0x5D70] =	vst v3  }
0x26: {  	[tilespmem:s24+$0x5D80] =	vst v3  }
0x27: {  	[tilespmem:s24+$0x5D90] =	vst v3  }
0x28: {  	[tilespmem:s24+$0x5DA0] =	vst v3  }
0x29: {  	[tilespmem:s24+$0x5DB0] =	vst v3  }
0x2a: {  	[tilespmem:s24+$0x5DC0] =	vst v3  }
0x2b: {  	[tilespmem:s24+$0x5DD0] =	vst v3  }
0x2c: {  	[tilespmem:s24+$0x5DE0] =	vst v3  }
.Ltmp2:
0x2d: {  	[tilespmem:s24+$0x5DF0] =	vst v3;
	(pc) =	sbr.rel @p1 .LBB2_2-.Ltmp2, $4  }
0x2e: {  	[tilespmem:s24+$0x5E00] =	vst v3  }
0x2f: {  	[tilespmem:s24+$0x5E10] =	vst v3  }
0x30: {  	[tilespmem:s24+$0x5E20] =	vst v3  }
0x31: {  	[tilespmem:s24+$0x5E30] =	vst v3;
	s24 =	sshra.s32 s25, $0x2;
	s25 =	sadd.s32 $0x440, s25  }
0x32: {  	[tilespmem:s24+$0x5E40] =	vst v3  }
0x33: {  	[tilespmem:s24+$0x5D40] =	vst v3  }
0x34: {  	[tilespmem:s24+$0x5D50] =	vst v3  }
0x35: {  	[tilespmem:s24+$0x5D60] =	vst v3  }
0x36: {  	[tilespmem:s24+$0x5D70] =	vst v3  }
0x37: {  	[tilespmem:s24+$0x5D80] =	vst v3  }
0x38: {  	[tilespmem:s24+$0x5D90] =	vst v3  }
0x39: {  	[tilespmem:s24+$0x5DA0] =	vst v3  }
0x3a: {  	[tilespmem:s24+$0x5DB0] =	vst v3  }
0x3b: {  	[tilespmem:s24+$0x5DC0] =	vst v3  }
0x3c: {  	[tilespmem:s24+$0x5DD0] =	vst v3  }
0x3d: {  	[tilespmem:s24+$0x5DE0] =	vst v3  }
0x3e: {  	[tilespmem:s24+$0x5DF0] =	vst v3  }
0x3f: {  	[tilespmem:s24+$0x5E00] =	vst v3  }
0x40: {  	[tilespmem:s24+$0x5E10] =	vst v3  }
0x41: {  	[tilespmem:s24+$0x5E20] =	vst v3  }
0x42: {  	[tilespmem:s24+$0x5E30] =	vst v3  }
0x43: {  	[spmem:s6] =	stream.linear.scatter [tilespmem:s15], [sflag:$0x2], $0x4400, $0x38;
	[tilespmem:$0x1F6C0] =	vst v63  }
0x44: {  	_ =	swait.ge [sflag:s16], $0x4400  }
0x45: {  	[sflag:s16] =	ssyncset.done $0x0  }
0x46: {  	[sflag:s16] =	ssyncadd.s32 $0xFFFFBC00  }
0x47: {  	[spmem:s7] =	stream.linear.scatter [tilespmem:s15], [sflag:$0x2], $0x4400, $0x38;
	[tilespmem:$0x1F6C0] =	vst v63  }
0x48: {  	_ =	swait.ge [sflag:s16], $0x4400  }
0x49: {  	[sflag:s16] =	ssyncset.done $0x0  }
0x4a: {  	[sflag:s16] =	ssyncadd.s32 $0xFFFFBC00  }
0x4b: {  	[spmem:s8] =	stream.linear.scatter [tilespmem:s15], [sflag:$0x2], $0x4400, $0x38;
	[tilespmem:$0x1F6C0] =	vst v63  }
0x4c: {  	_ =	swait.ge [sflag:s16], $0x4400  }
0x4d: {  	[sflag:s16] =	ssyncset.done $0x0  }
0x4e: {  	[sflag:s16] =	ssyncadd.s32 $0xFFFFBC00  }
0x4f: {  	[spmem:s9] =	stream.linear.scatter [tilespmem:s15], [sflag:$0x2], $0x4400, $0x38;
	[tilespmem:$0x1F6C0] =	vst v63  }
0x50: {  	_ =	swait.ge [sflag:s16], $0x4400  }
0x51: {  	[sflag:s16] =	ssyncset.done $0x0  }
0x52: {  	[sflag:s16] =	ssyncadd.s32 $0xFFFFBC00  }
0x53: {  	[spmem:s10] =	stream.linear.scatter [tilespmem:s15], [sflag:$0x2], $0x4400, $0x38;
	[tilespmem:$0x1F6C0] =	vst v63  }
0x54: {  	_ =	swait.ge [sflag:s16], $0x4400  }
0x55: {  	[sflag:s16] =	ssyncset.done $0x0  }
0x56: {  	s25 =	simm.s32 $0x0;
	[sflag:s16] =	ssyncadd.s32 $0xFFFFBC00  }
0x57: {  	s24 =	simm.s32 $0x0;
	s26 =	simm.s32 $0x0;
	[bflag:$0x0] =	sbarrier.arrive $0xFFFF  }
.LBB2_4:
0x58: {  	s28 =	smul.u32 $0x7D0, s26;
	_ =	sdelay $0x1  }
0x59: {  	s28 =	sadd.s32 s11, s28  }
0x5a: {  	s28 =	sshrl.u32 s28, $0x3  }
0x5b: {  	s29 =	sadd.s32 s1, s28  }
0x5c: {  	[tilespmem:s25], [sflag:$0x2] =	stream.linear.gather [hbm4b:s29+s25], $0x7D0, $0x38;
	[tilespmem:$0x1F6C0] =	vst v63  }
0x5d: {  	_ =	swait.ge [sflag:s16], $0x7D0  }
0x5e: {  	[sflag:s16] =	ssyncset.done $0x0  }
0x5f: {  	s28 =	sadd.s32 s5, s28;
	[sflag:s16] =	ssyncadd.s32 $0xFFFFF830  }
0x60: {  	[tilespmem:s17], [sflag:$0x2] =	stream.linear.gather [hbm4b:s28+s25], $0x7D0, $0x38;
	[tilespmem:$0x1F6C0] =	vst v63  }
0x61: {  	_ =	swait.ge [sflag:s16], $0x7D0  }
0x62: {  	[sflag:s16] =	ssyncset.done $0x0  }
0x63: {  	s28 =	simm.s32 $0x0;
	[sflag:s16] =	ssyncadd.s32 $0xFFFFF830  }
0x64: {  	v5 =	vld [tilespmem:s28+$0x0];
	_ =	sdelay $0x4  }
0x65: {  	vm0 =	vge.s32 v5, v0;
	vm1 =	vlt.s32 v5, v1  }
0x66: {  	vm0 =	vmand vm0, vm1  }
0x67: {  	v6 =	vsel vm0, $0x1, v4  }
0x68: {  	(xrf0) =	vadd.scan.msk.s32 $0xffff, v6;
	_ =	sdelay $0x2  }
0x69: {  	v6 =	vmov s24  }
0x6a: {  	v6 =	vadd.s32 $0xFFFFFFFF, v6  }
0x6b: {  	v6 =	vbroadcast v6, $0x0  }
0x6c: {  	v7, _, _ =	vpop (xrf0)  }
0x6d: {  	v8 =	vld [tilespmem:s28+$0x7D0];
	v6 =	vadd.s32 v7, v6;
	(v2sf) =	vpush v7, $0xF;
	_ =	sdelay $0x4  }
0x6e: {  	v5 =	vsub.s32 v5, v0;
	[tilespmem:v6+s18+$0x0] =	vst.idx.msk vm0, v8  }
0x6f: {  	s29 =	simm.s32 $0x80;
	s28 =	simm.s32 $0x10;
	[tilespmem:v6+s19+$0x0] =	vst.idx.msk vm0, v5  }
.LBB2_5:
0x70: {  	p1 =	sne.s32 s29, $0x1F00;
	v5 =	vld [tilespmem:s28+$0x0];
	_ =	sdelay $0x4  }
0x71: {  	vm0 =	vge.s32 v5, v0;
	vm1 =	vlt.s32 v5, v1;
	v5 =	vsub.s32 v5, v0  }
0x72: {  	vm0 =	vmand vm0, vm1  }
0x73: {  	v6 =	vsel vm0, $0x1, v4  }
0x74: {  	(xrf0) =	vadd.scan.msk.s32 $0xffff, v6;
	s30 =	spop (v2sf)  }
0x75: {  	s24 =	sadd.s32 s24, s30  }
0x76: {  	v6 =	vmov s24  }
0x77: {  	v6 =	vadd.s32 $0xFFFFFFFF, v6  }
0x78: {  	v6 =	vbroadcast v6, $0x0;
	_ =	sdelay $0x1  }
0x79: {  	v7, _, _ =	vpop (xrf0)  }
0x7a: {  	v8 =	vld [tilespmem:s28+$0x7D0];
	v6 =	vadd.s32 v7, v6;
	(v2sf) =	vpush v7, $0xF;
	_ =	sdelay $0x1  }
.Ltmp3:
0x7b: {  	(pc) =	sbr.rel @p1 .LBB2_5-.Ltmp3, $3  }
0x7c: {  	_ =	sdelay $0x1  }
0x7d: {  	[tilespmem:v6+s18+$0x0] =	vst.idx.msk vm0, v8  }
0x7e: {  	s28 =	sshra.s32 s29, $0x2;
	s29 =	sadd.s32 $0x40, s29;
	[tilespmem:v6+s19+$0x0] =	vst.idx.msk vm0, v5  }
0x7f: {  	v5 =	vld [tilespmem:s28+$0x0];
	_ =	sdelay $0x4  }
0x80: {  	vm0 =	vge.s32 v5, v0;
	vm1 =	vlt.s32 v5, v1  }
0x81: {  	vm0 =	vmand vm0, vm1  }
0x82: {  	v6 =	vsel vm0, $0x1, v4  }
0x83: {  	(xrf0) =	vadd.scan.msk.s32 $0xffff, v6;
	_ =	sdelay $0x5  }
0x84: {  	v6, _, _ =	vpop (xrf0)  }
0x85: {  	(v2sf) =	vpush v6, $0xF;
	_ =	sdelay $0x3  }
0x86: {  	s29 =	spop (v2sf)  }
0x87: {  	s24 =	sadd.s32 s24, s29  }
0x88: {  	v7 =	vmov s24  }
0x89: {  	v7 =	vadd.s32 $0xFFFFFFFF, v7  }
0x8a: {  	v7 =	vbroadcast v7, $0x0;
	_ =	sdelay $0x1  }
0x8b: {  	v8 =	vld [tilespmem:s28+$0x7D0];
	s26 =	sadd.s32 $0x1, s26;
	v6 =	vadd.s32 v6, v7  }
0x8c: {  	p1 =	sne.s32 s26, $0x5  }
.Ltmp4:
0x8d: {  	_ = 	snop;
	(pc) =	sbr.rel @p1 .LBB2_4-.Ltmp4, $3  }
0x8e: {  	_ =	sdelay $0x1  }
0x8f: {  	v5 =	vsub.s32 v5, v0;
	[tilespmem:v6+s18+$0x0] =	vst.idx.msk vm0, v8;
	s31 =	spop (v2sf)  }
0x90: {  	[tilespmem:v6+s19+$0x0] =	vst.idx.msk vm0, v5;
	s24 =	sadd.s32 s24, s31  }
0x91: {  	s25 =	sadd.s32 $0x3F, s24  }
0x92: {  	s26 =	sand.u32 $0x3F, s25  }
0x93: {  	s31 =	sshra.s32 s25, $0x1F;
	p2 =	slt.s32 s25, $0x1;
	p1 =	sne.s32 s26, $0x0  }
0x94: {  	s26 =	sshrl.u32 s31, $0x1A;
	p1 =	por !p2, !p1  }
0x95: {  	s25 =	sadd.s32 s26, s25;
	s26 =	simm.s32 $0x1;
	p1 =	por !p1, !p1  }
0x96: {  	[tilespmem:s24+$0xFA0] =	vst v4;
	s25 =	sshra.s32 s25, $0x6;
	s26 =	simm.s32 @!p1 $0x0  }
0x97: {  	[tilespmem:s24+$0x36F0] =	vst v2;
	s26 =	ssub.s32 s25, s26  }
0x98: {  	[tilespmem:s24+$0xFB0] =	vst v4;
	p1 =	slt.s32 s26, $0x1  }
.Ltmp5:
0x99: {  	[tilespmem:s24+$0x3700] =	vst v2;
	(pc) =	sbr.rel @p1 .LBB2_11-.Ltmp5, $4  }
0x9a: {  	[tilespmem:s24+$0xFC0] =	vst v4  }
0x9b: {  	[tilespmem:s24+$0x3710] =	vst v2  }
0x9c: {  	[tilespmem:s24+$0xFD0] =	vst v4  }
0x9d: {  	[tilespmem:s24+$0x3720] =	vst v2  }
0x9e: {  	s24 =	simm.s32 $0x3710  }
0x9f: {  	v5 =	vld [tilespmem:s24+$0xFFFFFFE0];
	_ =	sdelay $0x4  }
0xa0: {  	s25 =	simm.s32 $0xFC0;
	[tilespmem:$0xA240] =	vst v5  }
0xa1: {  	v5 =	vld [tilespmem:s25+$0xFFFFFFE0];
	_ =	sdelay $0x4  }
0xa2: {  	[tilespmem:$0xA280] =	vst v5  }
0xa3: {  	v5 =	vld [tilespmem:s24+$0xFFFFFFF0];
	_ =	sdelay $0x4  }
0xa4: {  	[tilespmem:$0xA250] =	vst v5  }
0xa5: {  	v5 =	vld [tilespmem:s25+$0xFFFFFFF0];
	_ =	sdelay $0x4  }
0xa6: {  	[tilespmem:$0xA290] =	vst v5  }
0xa7: {  	v5 =	vld [tilespmem:s24+$0x0];
	_ =	sdelay $0x4  }
0xa8: {  	[tilespmem:$0xA260] =	vst v5  }
0xa9: {  	v5 =	vld [tilespmem:s25+$0x0];
	_ =	sdelay $0x4  }
0xaa: {  	[tilespmem:$0xA2A0] =	vst v5  }
0xab: {  	v5 =	vld [tilespmem:s24+$0x10];
	_ =	sdelay $0x4  }
0xac: {  	[tilespmem:$0xA270] =	vst v5  }
0xad: {  	v5 =	vld [tilespmem:s25+$0x10];
	_ =	sdelay $0x2  }
0xae: {  	p1 =	sne.s32 s26, $0x1  }
.Ltmp6:
0xaf: {  	_ = 	snop;
	(pc) =	sbr.rel @!p1 .LBB2_10-.Ltmp6, $4  }
0xb0: {  	[tilespmem:$0xA2B0] =	vst v5  }
0xb1: {  	[tilespmem:s15], [sflag:$0x1] =	stream.indirect.gather [hbm4b:s4+s21], $0x110, s22, s21, $0xb8;
	[tilespmem:$0x1F6C0] =	vst v63  }
0xb2: {  	_ =	swait.ge [sflag:s20], $0x4400  }
0xb3: {  	s26 =	sadd.s32 $0xFFFFFFFF, s26;
	[sflag:s20] =	ssyncset.done $0x0  }
.LBB2_9:
0xb4: {  	[sflag:s20] =	ssyncadd.s32 $0xFFFFBC00;
	s24 =	sadd.s32 $0x40, s24;
	s25 =	sadd.s32 $0x40, s25  }
0xb5: {  	p1 =	sne.s32 s26, $0x1;
	s26 =	sadd.s32 $0xFFFFFFFF, s26;
	v5 =	vld [tilespmem:s24+$0xFFFFFFE0];
	_ =	sdelay $0x4  }
0xb6: {  	[tilespmem:$0xA240] =	vst v5  }
0xb7: {  	v5 =	vld [tilespmem:s25+$0xFFFFFFE0];
	_ =	sdelay $0x4  }
0xb8: {  	[tilespmem:$0xA280] =	vst v5  }
0xb9: {  	v5 =	vld [tilespmem:s24+$0xFFFFFFF0];
	_ =	sdelay $0x4  }
0xba: {  	[tilespmem:$0xA250] =	vst v5  }
0xbb: {  	v5 =	vld [tilespmem:s25+$0xFFFFFFF0];
	_ =	sdelay $0x4  }
0xbc: {  	[tilespmem:$0xA290] =	vst v5  }
0xbd: {  	v5 =	vld [tilespmem:s24+$0x0];
	_ =	sdelay $0x4  }
0xbe: {  	[tilespmem:$0xA260] =	vst v5  }
0xbf: {  	v5 =	vld [tilespmem:s25+$0x0];
	_ =	sdelay $0x4  }
0xc0: {  	[tilespmem:$0xA2A0] =	vst v5  }
0xc1: {  	v5 =	vld [tilespmem:s24+$0x10];
	_ =	sdelay $0x4  }
0xc2: {  	[tilespmem:$0xA270] =	vst v5  }
0xc3: {  	v5 =	vld [tilespmem:s25+$0x10];
	_ =	sdelay $0x3  }
.Ltmp7:
0xc4: {  	(pc) =	sbr.rel @p1 .LBB2_9-.Ltmp7, $4  }
0xc5: {  	[tilespmem:$0xA2B0] =	vst v5  }
0xc6: {  	[tilespmem:s15], [sflag:$0x1] =	stream.indirect.gather [hbm4b:s4+s21], $0x110, s22, s21, $0xb8;
	[tilespmem:$0x1F6C0] =	vst v63  }
0xc7: {  	_ =	swait.ge [sflag:s20], $0x4400  }
0xc8: {  	[sflag:s20] =	ssyncset.done $0x0  }
.Ltmp8:
0xc9: {  	_ = 	snop;
	(pc) =	sbr.rel .LBB2_10-.Ltmp8, $1  }
0xca: {  	_ =	sdelay $0x3  }
.LBB2_12:
0xcb: {  	_ =	sfence.sel $0x180000  }
0xcc: {  	[bflag:$0x0] =	sbarrier.arrive $0xFFFF  }
0xcd: {  	p0 =	sne.s32 s3, $0x0;
	_ =	strace $0x90000047  }
0xce: {  	s0 =	sadd.s32 @!p0 $0x100000, s0;
	[bflag:$0x2] =	sbarrier.arrive $0xFFFF  }
0xcf: {  	[sflag:s0] =	ssyncadd.tile.s32 @!p0 $0x1;
	_ =	shalt  }
.Lfunc_end2:
_tile_overlayer_lowered:
.L_overlay_start_2:
0xd0: {  	(tag) =	ssettag $0x2  }
0xd1: {  	s0 =	rddreg [dreg:$0x0];
	s2 =	stileid.u32  }
0xd2: {  	s1 =	rddreg [dreg:$0x1];
	p0 =	sne.s32 s2, $0x0  }
0xd3: {  	s3 =	rddreg [dreg:$0x2];
	[bflag:$0x3] =	sbarrier.arrive $0xFFFF;
	s2 =	simm.s32 @!p0 $0x1C02  }
0xd4: {  	[timem:s3], [sflag:s2] =	dma.local @!p0 [hbm:s0], s1  }
0xd5: {  	s0 =	simm.s32 @!p0 $0x2  }
0xd6: {  	_ =	swait.ge @!p0 [sflag:s0], s1  }
0xd7: {  	s1 =	ssub.s32 @!p0 $0x0, s1;
	[sflag:s0] =	ssyncset.done @!p0 $0x0  }
0xd8: {  	[sflag:s0] =	ssyncadd.s32 @!p0 s1  }
0xd9: {  	[bflag:$0x3] =	sbarrier.arrive $0xFFFF  }
0xda: {  	_ =	shalt  }

</sc_bundles>
